<compile_context>
chip_gen: v7x
topology: tpu7x:2x2x1
jax: 0.10.2.dev20260603
libtpu: 0.0.44.dev20260713+nightly
codegen_flags: <defaults>
</compile_context>

<pallas_src>
import functools

import jax
import jax.numpy as jnp
from jax import lax
from jax.experimental import pallas as pl
from jax.experimental.pallas import tpu as pltpu
from jax.experimental.pallas import tpu_sc as plsc

B = 16384
D = 64
L = 16
NROW = 1000000
NCH = NROW // L

NC, NS = 2, 16
NW = NC * NS
BW = B // NW
NG = BW // L

_cache = {}


def _get_mf_kernel():
    if "k" not in _cache:
        mesh = plsc.VectorSubcoreMesh(core_axis_name="c",
                                      subcore_axis_name="s")
        _cache["k"] = functools.partial(
            pl.kernel,
            out_type=jax.ShapeDtypeStruct((B,), jnp.float32),
            mesh=mesh,
            compiler_params=pltpu.CompilerParams(needs_layout_passes=False,
                                                 use_tc_tiling_on_sc=False),
            scratch_types=[
                pltpu.VMEM((BW,), jnp.int32),
                pltpu.VMEM((BW,), jnp.int32),
                pltpu.VMEM((BW,), jnp.int32),
                pltpu.VMEM((BW,), jnp.int32),
                pltpu.VMEM((BW,), jnp.int32),
                pltpu.VMEM((BW,), jnp.int32),
                pltpu.VMEM((BW, D), jnp.float32),
                pltpu.VMEM((BW, D), jnp.float32),
                pltpu.VMEM((BW, L), jnp.float32),
                pltpu.VMEM((BW, L), jnp.float32),
                pltpu.VMEM((BW,), jnp.float32),
                pltpu.VMEM((L,), jnp.float32),
                pltpu.SemaphoreType.DMA,
                pltpu.SemaphoreType.DMA,
                pltpu.SemaphoreType.DMA,
                pltpu.SemaphoreType.DMA,
            ],
        )(_mf_kernel)
    return _cache["k"]


def _mf_kernel(uid_hbm, iid_hbm, uemb_hbm, iemb_hbm, ub_hbm, ib_hbm, gb_hbm,
               out_hbm, uid_v, iid_v, ux_v, ix_v, us_v, is_v, urows, irows,
               ub_v, ib_v, dots, gb_v, sem_u, sem_i, sem_ub, sem_ib):
    wid = lax.axis_index("s") * NC + lax.axis_index("c")
    base = wid * BW
    lane = lax.iota(jnp.int32, L)

    pltpu.sync_copy(uid_hbm.at[pl.ds(base, BW)], uid_v)
    pltpu.sync_copy(iid_hbm.at[pl.ds(base, BW)], iid_v)

    cp_u = pltpu.async_copy(uemb_hbm.at[uid_v], urows, sem_u)
    cp_i = pltpu.async_copy(iemb_hbm.at[iid_v], irows, sem_i)

    def prep_body(j, _):
        o = j * L
        u = uid_v[pl.ds(o, L)]
        i = iid_v[pl.ds(o, L)]
        ux_v[pl.ds(o, L)] = lax.shift_right_logical(u, 4)
        ix_v[pl.ds(o, L)] = lax.shift_right_logical(i, 4)
        us_v[pl.ds(o, L)] = u & 15
        is_v[pl.ds(o, L)] = i & 15
        return 0

    lax.fori_loop(0, NG, prep_body, 0, unroll=4)

    cp_ub = pltpu.async_copy(ub_hbm.at[ux_v], ub_v, sem_ub)
    cp_ib = pltpu.async_copy(ib_hbm.at[ix_v], ib_v, sem_ib)
    pltpu.sync_copy(gb_hbm, gb_v)

    cp_u.wait()
    cp_i.wait()

    def grp_body(g, _):
        res = jnp.zeros((L,), jnp.float32)
        for k in range(L):
            r = g * L + k
            acc = urows[r, pl.ds(0, L)] * irows[r, pl.ds(0, L)]
            for c in range(1, D // L):
                acc = acc + urows[r, pl.ds(c * L, L)] * irows[r, pl.ds(c * L, L)]
            res = jnp.where(lane == k, jnp.sum(acc), res)
        dots[pl.ds(g * L, L)] = res
        return 0

    lax.fori_loop(0, NG, grp_body, 0)

    cp_ub.wait()
    cp_ib.wait()
    gb = gb_v[...]

    def bias_body(j, _):
        o = j * L
        rows = o + lane
        ub = plsc.load_gather(ub_v, [rows, us_v[pl.ds(o, L)]])
        ib = plsc.load_gather(ib_v, [rows, is_v[pl.ds(o, L)]])
        dots[pl.ds(o, L)] = dots[pl.ds(o, L)] + ub + ib + gb
        return 0

    lax.fori_loop(0, NG, bias_body, 0, unroll=4)

    pltpu.sync_copy(dots, out_hbm.at[pl.ds(base, BW)])


def kernel(user_ids, item_ids, user_emb_table, item_emb_table,
           user_bias_table, item_bias_table, global_bias):
    ub16 = jnp.reshape(jnp.transpose(user_bias_table), (NCH, L))
    ib16 = jnp.reshape(jnp.transpose(item_bias_table), (NCH, L))
    gb16 = jnp.broadcast_to(global_bias.astype(jnp.float32), (L,))
    mf = _get_mf_kernel()
    return mf(user_ids.astype(jnp.int32), item_ids.astype(jnp.int32),
              user_emb_table, item_emb_table, ub16, ib16, gb16)

# --- scband reference (transcript-rebuilt; emitter-appended) ---
"""Pipeline reference for scband-matrix-factorization-73065983639623 (READ-ONLY COPY).

The authoritative reference and input builder live on the scoring server;
editing this copy changes nothing except your own understanding.
"""

import jax, jax.numpy as jnp
import numpy as np

NUM_USERS = 1000000
NUM_ITEMS = 1000000
EMBED_DIM = 64
BATCH = 16384


def setup_inputs(seed: int = 0) -> dict:
    key = jax.random.key(seed)
    k_uid, k_iid, k_ue, k_ie, k_ub, k_ib = jax.random.split(key, 6)
    user_ids = jax.random.randint(k_uid, (BATCH,), 0, NUM_USERS, dtype=jnp.int64 if jax.config.jax_enable_x64 else jnp.int32)
    item_ids = jax.random.randint(k_iid, (BATCH,), 0, NUM_ITEMS, dtype=jnp.int64 if jax.config.jax_enable_x64 else jnp.int32)
    user_emb_table = jax.random.normal(k_ue, (NUM_USERS, EMBED_DIM), dtype=jnp.float32) * 0.01
    item_emb_table = jax.random.normal(k_ie, (NUM_ITEMS, EMBED_DIM), dtype=jnp.float32) * 0.01
    user_bias_table = jax.random.normal(k_ub, (NUM_USERS, 1), dtype=jnp.float32)
    item_bias_table = jax.random.normal(k_ib, (NUM_ITEMS, 1), dtype=jnp.float32)
    global_bias = jnp.zeros((1,), dtype=jnp.float32)
    return {
        "user_ids": user_ids,
        "item_ids": item_ids,
        "user_emb_table": user_emb_table,
        "item_emb_table": item_emb_table,
        "user_bias_table": user_bias_table,
        "item_bias_table": item_bias_table,
        "global_bias": global_bias,
    }


def reference(user_ids, item_ids, user_emb_table, item_emb_table, user_bias_table, item_bias_table, global_bias):
    user_emb = jnp.take(user_emb_table, user_ids, axis=0)  # [B, D]
    item_emb = jnp.take(item_emb_table, item_ids, axis=0)  # [B, D]
    dot_product = jnp.sum(user_emb * item_emb, axis=1)     # [B]
    user_b = jnp.take(user_bias_table, user_ids, axis=0).squeeze(-1)  # [B]
    item_b = jnp.take(item_bias_table, item_ids, axis=0).squeeze(-1)  # [B]
    return dot_product + user_b + item_b + global_bias

if __name__ == "__main__":
    import jax
    _d = setup_inputs()
    print(jax.jit(kernel)(*tuple(_d.values())))

</pallas_src>

<mosaic_0001>
#map = affine_map<(d0, d1) -> (0)>
#map1 = affine_map<(d0, d1) -> (0, 0)>
module attributes {stable_mosaic.version = 14 : i64} {
  func.func @_mf_kernel(%arg0: i32, %arg1: i32, %arg2: memref<16384xi32, #tpu.memory_space<hbm>>, %arg3: memref<16384xi32, #tpu.memory_space<hbm>>, %arg4: memref<1000000x64xf32, #tpu.memory_space<hbm>>, %arg5: memref<1000000x64xf32, #tpu.memory_space<hbm>>, %arg6: memref<62500x16xf32, #tpu.memory_space<hbm>>, %arg7: memref<62500x16xf32, #tpu.memory_space<hbm>>, %arg8: memref<16xf32, #tpu.memory_space<hbm>>, %arg9: memref<16384xf32, #tpu.memory_space<hbm>>, %arg10: memref<512xi32, #tpu.memory_space<vmem>>, %arg11: memref<512xi32, #tpu.memory_space<vmem>>, %arg12: memref<512xi32, #tpu.memory_space<vmem>>, %arg13: memref<512xi32, #tpu.memory_space<vmem>>, %arg14: memref<512xi32, #tpu.memory_space<vmem>>, %arg15: memref<512xi32, #tpu.memory_space<vmem>>, %arg16: memref<512x64xf32, #tpu.memory_space<vmem>>, %arg17: memref<512x64xf32, #tpu.memory_space<vmem>>, %arg18: memref<512x16xf32, #tpu.memory_space<vmem>>, %arg19: memref<512x16xf32, #tpu.memory_space<vmem>>, %arg20: memref<512xf32, #tpu.memory_space<vmem>>, %arg21: memref<16xf32, #tpu.memory_space<vmem>>, %arg22: memref<!tpu.dma_semaphore, #tpu.memory_space<semaphore_mem>>, %arg23: memref<!tpu.dma_semaphore, #tpu.memory_space<semaphore_mem>>, %arg24: memref<!tpu.dma_semaphore, #tpu.memory_space<semaphore_mem>>, %arg25: memref<!tpu.dma_semaphore, #tpu.memory_space<semaphore_mem>>) attributes {dimension_semantics = [#tpu.dimension_semantics<core_parallel>, #tpu.dimension_semantics<subcore_parallel>], iteration_bounds = array<i64: 2, 16>, scalar_prefetch = 0 : i64, scratch_operands = 16 : i64, tpu.core_type = #tpu.core_type<sc_vector_subcore>, window_params = [{transform_indices = #map}, {transform_indices = #map}, {transform_indices = #map1}, {transform_indices = #map1}, {transform_indices = #map1}, {transform_indices = #map1}, {transform_indices = #map}, {transform_indices = #map}]} {
    %mul3A = arith.constant 2 : i32
    %mul3A_0 = arith.muli %arg1, %mul3A : i32
    %add3A = arith.addi %mul3A_0, %arg0 : i32
    %mul3A_1 = arith.constant 512 : i32
    %mul3A_2 = arith.muli %add3A, %mul3A_1 : i32
    %iota3A = tpu.iota {dimensions = array<i32: 0>} : vector<16xi32>
    "tpu.region"() ({
      %run_scoped3A = tpu.sem_alloc : memref<!tpu.dma_semaphore, #tpu.memory_space<semaphore_mem>>
      %dma_start3A_46 = tpu.memref_slice %arg2[%mul3A_2] : memref<16384xi32, #tpu.memory_space<hbm>> -> memref<512xi32, #tpu.memory_space<hbm>>
      %dma_start3A_47 = tpu.memref_slice %arg2[%mul3A_2] : memref<16384xi32, #tpu.memory_space<hbm>> -> memref<512xi32, #tpu.memory_space<hbm>>
      tpu.enqueue_dma source(%dma_start3A_47 : memref<512xi32, #tpu.memory_space<hbm>>) target(%arg10 : memref<512xi32, #tpu.memory_space<vmem>>) target_semaphore(%run_scoped3A : memref<!tpu.dma_semaphore, #tpu.memory_space<semaphore_mem>>)
      %dma_wait3A_48 = tpu.memref_slice %arg2[%mul3A_2] : memref<16384xi32, #tpu.memory_space<hbm>> -> memref<512xi32, #tpu.memory_space<hbm>>
      %dma_wait3A_49 = tpu.memref_slice %arg2[%mul3A_2] : memref<16384xi32, #tpu.memory_space<hbm>> -> memref<512xi32, #tpu.memory_space<hbm>>
      tpu.wait_dma2 semaphore(%run_scoped3A : memref<!tpu.dma_semaphore, #tpu.memory_space<semaphore_mem>>) src(%dma_wait3A_49 : memref<512xi32, #tpu.memory_space<hbm>>) dst(%arg10 : memref<512xi32, #tpu.memory_space<vmem>>)
      tpu.yield
    }) : () -> ()
    "tpu.region"() ({
      %run_scoped3A = tpu.sem_alloc : memref<!tpu.dma_semaphore, #tpu.memory_space<semaphore_mem>>
      %dma_start3A_46 = tpu.memref_slice %arg3[%mul3A_2] : memref<16384xi32, #tpu.memory_space<hbm>> -> memref<512xi32, #tpu.memory_space<hbm>>
      %dma_start3A_47 = tpu.memref_slice %arg3[%mul3A_2] : memref<16384xi32, #tpu.memory_space<hbm>> -> memref<512xi32, #tpu.memory_space<hbm>>
      tpu.enqueue_dma source(%dma_start3A_47 : memref<512xi32, #tpu.memory_space<hbm>>) target(%arg11 : memref<512xi32, #tpu.memory_space<vmem>>) target_semaphore(%run_scoped3A : memref<!tpu.dma_semaphore, #tpu.memory_space<semaphore_mem>>)
      %dma_wait3A_48 = tpu.memref_slice %arg3[%mul3A_2] : memref<16384xi32, #tpu.memory_space<hbm>> -> memref<512xi32, #tpu.memory_space<hbm>>
      %dma_wait3A_49 = tpu.memref_slice %arg3[%mul3A_2] : memref<16384xi32, #tpu.memory_space<hbm>> -> memref<512xi32, #tpu.memory_space<hbm>>
      tpu.wait_dma2 semaphore(%run_scoped3A : memref<!tpu.dma_semaphore, #tpu.memory_space<semaphore_mem>>) src(%dma_wait3A_49 : memref<512xi32, #tpu.memory_space<hbm>>) dst(%arg11 : memref<512xi32, #tpu.memory_space<vmem>>)
      tpu.yield
    }) : () -> ()
    %dma_start3A = arith.constant 0 : i32
    %dma_start3A_3 = arith.constant 0 : i32
    %dma_start3A_4 = tpu.memref_slice %arg4[%dma_start3A, %dma_start3A_3] : memref<1000000x64xf32, #tpu.memory_space<hbm>> -> memref<1000000x64xf32, #tpu.memory_space<hbm>>
    tpu.enqueue_indirect_dma source(%dma_start3A_4 : memref<1000000x64xf32, #tpu.memory_space<hbm>>) target(%arg16 : memref<512x64xf32, #tpu.memory_space<vmem>>) offsets(%arg10 : memref<512xi32, #tpu.memory_space<vmem>>) semaphore(%arg22 : memref<!tpu.dma_semaphore, #tpu.memory_space<semaphore_mem>>)
    %dma_start3A_5 = arith.constant 0 : i32
    %dma_start3A_6 = arith.constant 0 : i32
    %dma_start3A_7 = tpu.memref_slice %arg5[%dma_start3A_5, %dma_start3A_6] : memref<1000000x64xf32, #tpu.memory_space<hbm>> -> memref<1000000x64xf32, #tpu.memory_space<hbm>>
    tpu.enqueue_indirect_dma source(%dma_start3A_7 : memref<1000000x64xf32, #tpu.memory_space<hbm>>) target(%arg17 : memref<512x64xf32, #tpu.memory_space<vmem>>) offsets(%arg11 : memref<512xi32, #tpu.memory_space<vmem>>) semaphore(%arg23 : memref<!tpu.dma_semaphore, #tpu.memory_space<semaphore_mem>>)
    %scan3A = arith.constant 0 : i32
    %scan3A_8 = arith.constant 0 : i32
    %scan3A_9 = arith.constant 32 : i32
    %scan3A_10 = arith.addi %scan3A_8, %scan3A_9 : i32
    %scan3A_11 = arith.constant 4 : i32
    %scan3A_12 = scf.for %scan3A_46 = %scan3A_8 to %scan3A_10 step %scan3A_11 iter_args(%scan3A_47 = %scan3A) -> (i32)  : i32 {
      %mul3A_48 = arith.constant 16 : i32
      %mul3A_49 = arith.muli %scan3A_46, %mul3A_48 : i32
      %get3A_50 = arith.index_cast %mul3A_49 : i32 to index
      %get3A_51 = tpu.vector_load %arg10[%get3A_50] {strides = array<i32>} : memref<512xi32, #tpu.memory_space<vmem>>, vector<16xi32>,
      %get3A_52 = arith.index_cast %mul3A_49 : i32 to index
      %get3A_53 = tpu.vector_load %arg11[%get3A_52] {strides = array<i32>} : memref<512xi32, #tpu.memory_space<vmem>>, vector<16xi32>,
      %shift_right_logical3A = arith.constant 4 : i32
      %shift_right_logical3A_54 = vector.broadcast %shift_right_logical3A : i32 to vector<16xi32>
      %shift_right_logical3A_55 = arith.shrui %get3A_51, %shift_right_logical3A_54 : vector<16xi32>
      %swap3A = arith.index_cast %mul3A_49 : i32 to index
      %swap3A_56 = tpu.vector_load %arg12[%swap3A] {strides = array<i32>} : memref<512xi32, #tpu.memory_space<vmem>>, vector<16xi32>,
      tpu.vector_store %arg12[%swap3A], %shift_right_logical3A_55 {strides = array<i32>} : memref<512xi32, #tpu.memory_space<vmem>>, vector<16xi32>,
      %shift_right_logical3A_57 = arith.constant 4 : i32
      %shift_right_logical3A_58 = vector.broadcast %shift_right_logical3A_57 : i32 to vector<16xi32>
      %shift_right_logical3A_59 = arith.shrui %get3A_53, %shift_right_logical3A_58 : vector<16xi32>
      %swap3A_60 = arith.index_cast %mul3A_49 : i32 to index
      %swap3A_61 = tpu.vector_load %arg13[%swap3A_60] {strides = array<i32>} : memref<512xi32, #tpu.memory_space<vmem>>, vector<16xi32>,
      tpu.vector_store %arg13[%swap3A_60], %shift_right_logical3A_59 {strides = array<i32>} : memref<512xi32, #tpu.memory_space<vmem>>, vector<16xi32>,
      %and3A = arith.constant 15 : i32
      %and3A_62 = vector.broadcast %and3A : i32 to vector<16xi32>
      %and3A_63 = arith.andi %get3A_51, %and3A_62 : vector<16xi32>
      %swap3A_64 = arith.index_cast %mul3A_49 : i32 to index
      %swap3A_65 = tpu.vector_load %arg14[%swap3A_64] {strides = array<i32>} : memref<512xi32, #tpu.memory_space<vmem>>, vector<16xi32>,
      tpu.vector_store %arg14[%swap3A_64], %and3A_63 {strides = array<i32>} : memref<512xi32, #tpu.memory_space<vmem>>, vector<16xi32>,
      %and3A_66 = arith.constant 15 : i32
      %and3A_67 = vector.broadcast %and3A_66 : i32 to vector<16xi32>
      %and3A_68 = arith.andi %get3A_53, %and3A_67 : vector<16xi32>
      %swap3A_69 = arith.index_cast %mul3A_49 : i32 to index
      %swap3A_70 = tpu.vector_load %arg15[%swap3A_69] {strides = array<i32>} : memref<512xi32, #tpu.memory_space<vmem>>, vector<16xi32>,
      tpu.vector_store %arg15[%swap3A_69], %and3A_68 {strides = array<i32>} : memref<512xi32, #tpu.memory_space<vmem>>, vector<16xi32>,
      %scan3A_71 = arith.constant 0 : i32
      %scan3A_72 = arith.constant 1 : i32
      %scan3A_73 = arith.addi %scan3A_46, %scan3A_72 : i32
      %mul3A_74 = arith.constant 16 : i32
      %mul3A_75 = arith.muli %scan3A_73, %mul3A_74 : i32
      %get3A_76 = arith.index_cast %mul3A_75 : i32 to index
      %get3A_77 = tpu.vector_load %arg10[%get3A_76] {strides = array<i32>} : memref<512xi32, #tpu.memory_space<vmem>>, vector<16xi32>,
      %get3A_78 = arith.index_cast %mul3A_75 : i32 to index
      %get3A_79 = tpu.vector_load %arg11[%get3A_78] {strides = array<i32>} : memref<512xi32, #tpu.memory_space<vmem>>, vector<16xi32>,
      %shift_right_logical3A_80 = arith.constant 4 : i32
      %shift_right_logical3A_81 = vector.broadcast %shift_right_logical3A_80 : i32 to vector<16xi32>
      %shift_right_logical3A_82 = arith.shrui %get3A_77, %shift_right_logical3A_81 : vector<16xi32>
      %swap3A_83 = arith.index_cast %mul3A_75 : i32 to index
      %swap3A_84 = tpu.vector_load %arg12[%swap3A_83] {strides = array<i32>} : memref<512xi32, #tpu.memory_space<vmem>>, vector<16xi32>,
      tpu.vector_store %arg12[%swap3A_83], %shift_right_logical3A_82 {strides = array<i32>} : memref<512xi32, #tpu.memory_space<vmem>>, vector<16xi32>,
      %shift_right_logical3A_85 = arith.constant 4 : i32
      %shift_right_logical3A_86 = vector.broadcast %shift_right_logical3A_85 : i32 to vector<16xi32>
      %shift_right_logical3A_87 = arith.shrui %get3A_79, %shift_right_logical3A_86 : vector<16xi32>
      %swap3A_88 = arith.index_cast %mul3A_75 : i32 to index
      %swap3A_89 = tpu.vector_load %arg13[%swap3A_88] {strides = array<i32>} : memref<512xi32, #tpu.memory_space<vmem>>, vector<16xi32>,
      tpu.vector_store %arg13[%swap3A_88], %shift_right_logical3A_87 {strides = array<i32>} : memref<512xi32, #tpu.memory_space<vmem>>, vector<16xi32>,
      %and3A_90 = arith.constant 15 : i32
      %and3A_91 = vector.broadcast %and3A_90 : i32 to vector<16xi32>
      %and3A_92 = arith.andi %get3A_77, %and3A_91 : vector<16xi32>
      %swap3A_93 = arith.index_cast %mul3A_75 : i32 to index
      %swap3A_94 = tpu.vector_load %arg14[%swap3A_93] {strides = array<i32>} : memref<512xi32, #tpu.memory_space<vmem>>, vector<16xi32>,
      tpu.vector_store %arg14[%swap3A_93], %and3A_92 {strides = array<i32>} : memref<512xi32, #tpu.memory_space<vmem>>, vector<16xi32>,
      %and3A_95 = arith.constant 15 : i32
      %and3A_96 = vector.broadcast %and3A_95 : i32 to vector<16xi32>
      %and3A_97 = arith.andi %get3A_79, %and3A_96 : vector<16xi32>
      %swap3A_98 = arith.index_cast %mul3A_75 : i32 to index
      %swap3A_99 = tpu.vector_load %arg15[%swap3A_98] {strides = array<i32>} : memref<512xi32, #tpu.memory_space<vmem>>, vector<16xi32>,
      tpu.vector_store %arg15[%swap3A_98], %and3A_97 {strides = array<i32>} : memref<512xi32, #tpu.memory_space<vmem>>, vector<16xi32>,
      %scan3A_100 = arith.constant 0 : i32
      %scan3A_101 = arith.constant 2 : i32
      %scan3A_102 = arith.addi %scan3A_46, %scan3A_101 : i32
      %mul3A_103 = arith.constant 16 : i32
      %mul3A_104 = arith.muli %scan3A_102, %mul3A_103 : i32
      %get3A_105 = arith.index_cast %mul3A_104 : i32 to index
      %get3A_106 = tpu.vector_load %arg10[%get3A_105] {strides = array<i32>} : memref<512xi32, #tpu.memory_space<vmem>>, vector<16xi32>,
      %get3A_107 = arith.index_cast %mul3A_104 : i32 to index
      %get3A_108 = tpu.vector_load %arg11[%get3A_107] {strides = array<i32>} : memref<512xi32, #tpu.memory_space<vmem>>, vector<16xi32>,
      %shift_right_logical3A_109 = arith.constant 4 : i32
      %shift_right_logical3A_110 = vector.broadcast %shift_right_logical3A_109 : i32 to vector<16xi32>
      %shift_right_logical3A_111 = arith.shrui %get3A_106, %shift_right_logical3A_110 : vector<16xi32>
      %swap3A_112 = arith.index_cast %mul3A_104 : i32 to index
      %swap3A_113 = tpu.vector_load %arg12[%swap3A_112] {strides = array<i32>} : memref<512xi32, #tpu.memory_space<vmem>>, vector<16xi32>,
      tpu.vector_store %arg12[%swap3A_112], %shift_right_logical3A_111 {strides = array<i32>} : memref<512xi32, #tpu.memory_space<vmem>>, vector<16xi32>,
      %shift_right_logical3A_114 = arith.constant 4 : i32
      %shift_right_logical3A_115 = vector.broadcast %shift_right_logical3A_114 : i32 to vector<16xi32>
      %shift_right_logical3A_116 = arith.shrui %get3A_108, %shift_right_logical3A_115 : vector<16xi32>
      %swap3A_117 = arith.index_cast %mul3A_104 : i32 to index
      %swap3A_118 = tpu.vector_load %arg13[%swap3A_117] {strides = array<i32>} : memref<512xi32, #tpu.memory_space<vmem>>, vector<16xi32>,
      tpu.vector_store %arg13[%swap3A_117], %shift_right_logical3A_116 {strides = array<i32>} : memref<512xi32, #tpu.memory_space<vmem>>, vector<16xi32>,
      %and3A_119 = arith.constant 15 : i32
      %and3A_120 = vector.broadcast %and3A_119 : i32 to vector<16xi32>
      %and3A_121 = arith.andi %get3A_106, %and3A_120 : vector<16xi32>
      %swap3A_122 = arith.index_cast %mul3A_104 : i32 to index
      %swap3A_123 = tpu.vector_load %arg14[%swap3A_122] {strides = array<i32>} : memref<512xi32, #tpu.memory_space<vmem>>, vector<16xi32>,
      tpu.vector_store %arg14[%swap3A_122], %and3A_121 {strides = array<i32>} : memref<512xi32, #tpu.memory_space<vmem>>, vector<16xi32>,
      %and3A_124 = arith.constant 15 : i32
      %and3A_125 = vector.broadcast %and3A_124 : i32 to vector<16xi32>
      %and3A_126 = arith.andi %get3A_108, %and3A_125 : vector<16xi32>
      %swap3A_127 = arith.index_cast %mul3A_104 : i32 to index
      %swap3A_128 = tpu.vector_load %arg15[%swap3A_127] {strides = array<i32>} : memref<512xi32, #tpu.memory_space<vmem>>, vector<16xi32>,
      tpu.vector_store %arg15[%swap3A_127], %and3A_126 {strides = array<i32>} : memref<512xi32, #tpu.memory_space<vmem>>, vector<16xi32>,
      %scan3A_129 = arith.constant 0 : i32
      %scan3A_130 = arith.constant 3 : i32
      %scan3A_131 = arith.addi %scan3A_46, %scan3A_130 : i32
      %mul3A_132 = arith.constant 16 : i32
      %mul3A_133 = arith.muli %scan3A_131, %mul3A_132 : i32
      %get3A_134 = arith.index_cast %mul3A_133 : i32 to index
      %get3A_135 = tpu.vector_load %arg10[%get3A_134] {strides = array<i32>} : memref<512xi32, #tpu.memory_space<vmem>>, vector<16xi32>,
      %get3A_136 = arith.index_cast %mul3A_133 : i32 to index
      %get3A_137 = tpu.vector_load %arg11[%get3A_136] {strides = array<i32>} : memref<512xi32, #tpu.memory_space<vmem>>, vector<16xi32>,
      %shift_right_logical3A_138 = arith.constant 4 : i32
      %shift_right_logical3A_139 = vector.broadcast %shift_right_logical3A_138 : i32 to vector<16xi32>
      %shift_right_logical3A_140 = arith.shrui %get3A_135, %shift_right_logical3A_139 : vector<16xi32>
      %swap3A_141 = arith.index_cast %mul3A_133 : i32 to index
      %swap3A_142 = tpu.vector_load %arg12[%swap3A_141] {strides = array<i32>} : memref<512xi32, #tpu.memory_space<vmem>>, vector<16xi32>,
      tpu.vector_store %arg12[%swap3A_141], %shift_right_logical3A_140 {strides = array<i32>} : memref<512xi32, #tpu.memory_space<vmem>>, vector<16xi32>,
      %shift_right_logical3A_143 = arith.constant 4 : i32
      %shift_right_logical3A_144 = vector.broadcast %shift_right_logical3A_143 : i32 to vector<16xi32>
      %shift_right_logical3A_145 = arith.shrui %get3A_137, %shift_right_logical3A_144 : vector<16xi32>
      %swap3A_146 = arith.index_cast %mul3A_133 : i32 to index
      %swap3A_147 = tpu.vector_load %arg13[%swap3A_146] {strides = array<i32>} : memref<512xi32, #tpu.memory_space<vmem>>, vector<16xi32>,
      tpu.vector_store %arg13[%swap3A_146], %shift_right_logical3A_145 {strides = array<i32>} : memref<512xi32, #tpu.memory_space<vmem>>, vector<16xi32>,
      %and3A_148 = arith.constant 15 : i32
      %and3A_149 = vector.broadcast %and3A_148 : i32 to vector<16xi32>
      %and3A_150 = arith.andi %get3A_135, %and3A_149 : vector<16xi32>
      %swap3A_151 = arith.index_cast %mul3A_133 : i32 to index
      %swap3A_152 = tpu.vector_load %arg14[%swap3A_151] {strides = array<i32>} : memref<512xi32, #tpu.memory_space<vmem>>, vector<16xi32>,
      tpu.vector_store %arg14[%swap3A_151], %and3A_150 {strides = array<i32>} : memref<512xi32, #tpu.memory_space<vmem>>, vector<16xi32>,
      %and3A_153 = arith.constant 15 : i32
      %and3A_154 = vector.broadcast %and3A_153 : i32 to vector<16xi32>
      %and3A_155 = arith.andi %get3A_137, %and3A_154 : vector<16xi32>
      %swap3A_156 = arith.index_cast %mul3A_133 : i32 to index
      %swap3A_157 = tpu.vector_load %arg15[%swap3A_156] {strides = array<i32>} : memref<512xi32, #tpu.memory_space<vmem>>, vector<16xi32>,
      tpu.vector_store %arg15[%swap3A_156], %and3A_155 {strides = array<i32>} : memref<512xi32, #tpu.memory_space<vmem>>, vector<16xi32>,
      %scan3A_158 = arith.constant 0 : i32
      scf.yield %scan3A_158 : i32
    }
    %scan3A_13 = arith.constant 32 : i32
    %dma_start3A_14 = arith.constant 0 : i32
    %dma_start3A_15 = arith.constant 0 : i32
    %dma_start3A_16 = tpu.memref_slice %arg6[%dma_start3A_14, %dma_start3A_15] : memref<62500x16xf32, #tpu.memory_space<hbm>> -> memref<62500x16xf32, #tpu.memory_space<hbm>>
    tpu.enqueue_indirect_dma source(%dma_start3A_16 : memref<62500x16xf32, #tpu.memory_space<hbm>>) target(%arg18 : memref<512x16xf32, #tpu.memory_space<vmem>>) offsets(%arg12 : memref<512xi32, #tpu.memory_space<vmem>>) semaphore(%arg24 : memref<!tpu.dma_semaphore, #tpu.memory_space<semaphore_mem>>)
    %dma_start3A_17 = arith.constant 0 : i32
    %dma_start3A_18 = arith.constant 0 : i32
    %dma_start3A_19 = tpu.memref_slice %arg7[%dma_start3A_17, %dma_start3A_18] : memref<62500x16xf32, #tpu.memory_space<hbm>> -> memref<62500x16xf32, #tpu.memory_space<hbm>>
    tpu.enqueue_indirect_dma source(%dma_start3A_19 : memref<62500x16xf32, #tpu.memory_space<hbm>>) target(%arg19 : memref<512x16xf32, #tpu.memory_space<vmem>>) offsets(%arg13 : memref<512xi32, #tpu.memory_space<vmem>>) semaphore(%arg25 : memref<!tpu.dma_semaphore, #tpu.memory_space<semaphore_mem>>)
    "tpu.region"() ({
      %run_scoped3A = tpu.sem_alloc : memref<!tpu.dma_semaphore, #tpu.memory_space<semaphore_mem>>
      tpu.enqueue_dma source(%arg8 : memref<16xf32, #tpu.memory_space<hbm>>) target(%arg21 : memref<16xf32, #tpu.memory_space<vmem>>) target_semaphore(%run_scoped3A : memref<!tpu.dma_semaphore, #tpu.memory_space<semaphore_mem>>)
      tpu.wait_dma2 semaphore(%run_scoped3A : memref<!tpu.dma_semaphore, #tpu.memory_space<semaphore_mem>>) src(%arg8 : memref<16xf32, #tpu.memory_space<hbm>>) dst(%arg21 : memref<16xf32, #tpu.memory_space<vmem>>)
      tpu.yield
    }) : () -> ()
    %dma_wait3A = arith.constant 0 : i32
    %dma_wait3A_20 = arith.constant 0 : i32
    %dma_wait3A_21 = tpu.memref_slice %arg4[%dma_wait3A, %dma_wait3A_20] : memref<1000000x64xf32, #tpu.memory_space<hbm>> -> memref<1000000x64xf32, #tpu.memory_space<hbm>>
    tpu.wait_indirect_dma semaphore(%arg22 : memref<!tpu.dma_semaphore, #tpu.memory_space<semaphore_mem>>) src(%dma_wait3A_21 : memref<1000000x64xf32, #tpu.memory_space<hbm>>) dst(%arg16 : memref<512x64xf32, #tpu.memory_space<vmem>>)
    %dma_wait3A_22 = arith.constant 0 : i32
    %dma_wait3A_23 = arith.constant 0 : i32
    %dma_wait3A_24 = tpu.memref_slice %arg5[%dma_wait3A_22, %dma_wait3A_23] : memref<1000000x64xf32, #tpu.memory_space<hbm>> -> memref<1000000x64xf32, #tpu.memory_space<hbm>>
    tpu.wait_indirect_dma semaphore(%arg23 : memref<!tpu.dma_semaphore, #tpu.memory_space<semaphore_mem>>) src(%dma_wait3A_24 : memref<1000000x64xf32, #tpu.memory_space<hbm>>) dst(%arg17 : memref<512x64xf32, #tpu.memory_space<vmem>>)
    %scan3A_25 = arith.constant 0 : i32
    %scan3A_26 = arith.constant 0 : i32
    %scan3A_27 = arith.constant 32 : i32
    %scan3A_28 = arith.addi %scan3A_26, %scan3A_27 : i32
    %scan3A_29 = arith.constant 1 : i32
    %scan3A_30 = scf.for %scan3A_46 = %scan3A_26 to %scan3A_28 step %scan3A_29 iter_args(%scan3A_47 = %scan3A_25) -> (i32)  : i32 {
      %broadcast_in_dim3A = arith.constant 0.000000e+00 : f32
      %broadcast_in_dim3A_48 = vector.broadcast %broadcast_in_dim3A : f32 to vector<16xf32>
      %mul3A_49 = arith.constant 16 : i32
      %mul3A_50 = arith.muli %scan3A_46, %mul3A_49 : i32
      %add3A_51 = arith.constant 0 : i32
      %add3A_52 = arith.addi %mul3A_50, %add3A_51 : i32
      %get3A_53 = arith.index_cast %add3A_52 : i32 to index
      %get3A_54 = arith.constant 0 : index
      %get3A_55 = tpu.vector_load %arg16[%get3A_53, %get3A_54] {strides = array<i32>} : memref<512x64xf32, #tpu.memory_space<vmem>>, vector<16xf32>,
      %get3A_56 = arith.index_cast %add3A_52 : i32 to index
      %get3A_57 = arith.constant 0 : index
      %get3A_58 = tpu.vector_load %arg17[%get3A_56, %get3A_57] {strides = array<i32>} : memref<512x64xf32, #tpu.memory_space<vmem>>, vector<16xf32>,
      %mul3A_59 = arith.mulf %get3A_55, %get3A_58 : vector<16xf32>
      %get3A_60 = arith.index_cast %add3A_52 : i32 to index
      %get3A_61 = arith.constant 16 : index
      %get3A_62 = tpu.vector_load %arg16[%get3A_60, %get3A_61] {strides = array<i32>} : memref<512x64xf32, #tpu.memory_space<vmem>>, vector<16xf32>,
      %get3A_63 = arith.index_cast %add3A_52 : i32 to index
      %get3A_64 = arith.constant 16 : index
      %get3A_65 = tpu.vector_load %arg17[%get3A_63, %get3A_64] {strides = array<i32>} : memref<512x64xf32, #tpu.memory_space<vmem>>, vector<16xf32>,
      %mul3A_66 = arith.mulf %get3A_62, %get3A_65 : vector<16xf32>
      %add3A_67 = arith.addf %mul3A_59, %mul3A_66 : vector<16xf32>
      %get3A_68 = arith.index_cast %add3A_52 : i32 to index
      %get3A_69 = arith.constant 32 : index
      %get3A_70 = tpu.vector_load %arg16[%get3A_68, %get3A_69] {strides = array<i32>} : memref<512x64xf32, #tpu.memory_space<vmem>>, vector<16xf32>,
      %get3A_71 = arith.index_cast %add3A_52 : i32 to index
      %get3A_72 = arith.constant 32 : index
      %get3A_73 = tpu.vector_load %arg17[%get3A_71, %get3A_72] {strides = array<i32>} : memref<512x64xf32, #tpu.memory_space<vmem>>, vector<16xf32>,
      %mul3A_74 = arith.mulf %get3A_70, %get3A_73 : vector<16xf32>
      %add3A_75 = arith.addf %add3A_67, %mul3A_74 : vector<16xf32>
      %get3A_76 = arith.index_cast %add3A_52 : i32 to index
      %get3A_77 = arith.constant 48 : index
      %get3A_78 = tpu.vector_load %arg16[%get3A_76, %get3A_77] {strides = array<i32>} : memref<512x64xf32, #tpu.memory_space<vmem>>, vector<16xf32>,
      %get3A_79 = arith.index_cast %add3A_52 : i32 to index
      %get3A_80 = arith.constant 48 : index
      %get3A_81 = tpu.vector_load %arg17[%get3A_79, %get3A_80] {strides = array<i32>} : memref<512x64xf32, #tpu.memory_space<vmem>>, vector<16xf32>,
      %mul3A_82 = arith.mulf %get3A_78, %get3A_81 : vector<16xf32>
      %add3A_83 = arith.addf %add3A_75, %mul3A_82 : vector<16xf32>
      %eq3A = arith.constant 0 : i32
      %eq3A_84 = vector.broadcast %eq3A : i32 to vector<16xi32>
      %eq3A_85 = arith.cmpi eq, %iota3A, %eq3A_84 : vector<16xi32>
      %reduce_sum3A = arith.constant true
      %reduce_sum3A_86 = vector.broadcast %reduce_sum3A : i1 to vector<16xi1>
      %reduce_sum3A_87 = tpu.scan <sum>, %add3A_83 masked %reduce_sum3A_86 : vector<16xf32>, vector<16xi1> -> vector<16xf32>
      %reduce_sum3A_88 = vector.extract %reduce_sum3A_87[15] : f32 from vector<16xf32>
      %broadcast_in_dim3A_89 = vector.broadcast %reduce_sum3A_88 : f32 to vector<16xf32>
      %select_n3A = arith.select %eq3A_85, %broadcast_in_dim3A_89, %broadcast_in_dim3A_48 : vector<16xi1>, vector<16xf32>
      %mul3A_90 = arith.constant 16 : i32
      %mul3A_91 = arith.muli %scan3A_46, %mul3A_90 : i32
      %add3A_92 = arith.constant 1 : i32
      %add3A_93 = arith.addi %mul3A_91, %add3A_92 : i32
      %get3A_94 = arith.index_cast %add3A_93 : i32 to index
      %get3A_95 = arith.constant 0 : index
      %get3A_96 = tpu.vector_load %arg16[%get3A_94, %get3A_95] {strides = array<i32>} : memref<512x64xf32, #tpu.memory_space<vmem>>, vector<16xf32>,
      %get3A_97 = arith.index_cast %add3A_93 : i32 to index
      %get3A_98 = arith.constant 0 : index
      %get3A_99 = tpu.vector_load %arg17[%get3A_97, %get3A_98] {strides = array<i32>} : memref<512x64xf32, #tpu.memory_space<vmem>>, vector<16xf32>,
      %mul3A_100 = arith.mulf %get3A_96, %get3A_99 : vector<16xf32>
      %get3A_101 = arith.index_cast %add3A_93 : i32 to index
      %get3A_102 = arith.constant 16 : index
      %get3A_103 = tpu.vector_load %arg16[%get3A_101, %get3A_102] {strides = array<i32>} : memref<512x64xf32, #tpu.memory_space<vmem>>, vector<16xf32>,
      %get3A_104 = arith.index_cast %add3A_93 : i32 to index
      %get3A_105 = arith.constant 16 : index
      %get3A_106 = tpu.vector_load %arg17[%get3A_104, %get3A_105] {strides = array<i32>} : memref<512x64xf32, #tpu.memory_space<vmem>>, vector<16xf32>,
      %mul3A_107 = arith.mulf %get3A_103, %get3A_106 : vector<16xf32>
      %add3A_108 = arith.addf %mul3A_100, %mul3A_107 : vector<16xf32>
      %get3A_109 = arith.index_cast %add3A_93 : i32 to index
      %get3A_110 = arith.constant 32 : index
      %get3A_111 = tpu.vector_load %arg16[%get3A_109, %get3A_110] {strides = array<i32>} : memref<512x64xf32, #tpu.memory_space<vmem>>, vector<16xf32>,
      %get3A_112 = arith.index_cast %add3A_93 : i32 to index
      %get3A_113 = arith.constant 32 : index
      %get3A_114 = tpu.vector_load %arg17[%get3A_112, %get3A_113] {strides = array<i32>} : memref<512x64xf32, #tpu.memory_space<vmem>>, vector<16xf32>,
      %mul3A_115 = arith.mulf %get3A_111, %get3A_114 : vector<16xf32>
      %add3A_116 = arith.addf %add3A_108, %mul3A_115 : vector<16xf32>
      %get3A_117 = arith.index_cast %add3A_93 : i32 to index
      %get3A_118 = arith.constant 48 : index
      %get3A_119 = tpu.vector_load %arg16[%get3A_117, %get3A_118] {strides = array<i32>} : memref<512x64xf32, #tpu.memory_space<vmem>>, vector<16xf32>,
      %get3A_120 = arith.index_cast %add3A_93 : i32 to index
      %get3A_121 = arith.constant 48 : index
      %get3A_122 = tpu.vector_load %arg17[%get3A_120, %get3A_121] {strides = array<i32>} : memref<512x64xf32, #tpu.memory_space<vmem>>, vector<16xf32>,
      %mul3A_123 = arith.mulf %get3A_119, %get3A_122 : vector<16xf32>
      %add3A_124 = arith.addf %add3A_116, %mul3A_123 : vector<16xf32>
      %eq3A_125 = arith.constant 1 : i32
      %eq3A_126 = vector.broadcast %eq3A_125 : i32 to vector<16xi32>
      %eq3A_127 = arith.cmpi eq, %iota3A, %eq3A_126 : vector<16xi32>
      %reduce_sum3A_128 = arith.constant true
      %reduce_sum3A_129 = vector.broadcast %reduce_sum3A_128 : i1 to vector<16xi1>
      %reduce_sum3A_130 = tpu.scan <sum>, %add3A_124 masked %reduce_sum3A_129 : vector<16xf32>, vector<16xi1> -> vector<16xf32>
      %reduce_sum3A_131 = vector.extract %reduce_sum3A_130[15] : f32 from vector<16xf32>
      %broadcast_in_dim3A_132 = vector.broadcast %reduce_sum3A_131 : f32 to vector<16xf32>
      %select_n3A_133 = arith.select %eq3A_127, %broadcast_in_dim3A_132, %select_n3A : vector<16xi1>, vector<16xf32>
      %mul3A_134 = arith.constant 16 : i32
      %mul3A_135 = arith.muli %scan3A_46, %mul3A_134 : i32
      %add3A_136 = arith.constant 2 : i32
      %add3A_137 = arith.addi %mul3A_135, %add3A_136 : i32
      %get3A_138 = arith.index_cast %add3A_137 : i32 to index
      %get3A_139 = arith.constant 0 : index
      %get3A_140 = tpu.vector_load %arg16[%get3A_138, %get3A_139] {strides = array<i32>} : memref<512x64xf32, #tpu.memory_space<vmem>>, vector<16xf32>,
      %get3A_141 = arith.index_cast %add3A_137 : i32 to index
      %get3A_142 = arith.constant 0 : index
      %get3A_143 = tpu.vector_load %arg17[%get3A_141, %get3A_142] {strides = array<i32>} : memref<512x64xf32, #tpu.memory_space<vmem>>, vector<16xf32>,
      %mul3A_144 = arith.mulf %get3A_140, %get3A_143 : vector<16xf32>
      %get3A_145 = arith.index_cast %add3A_137 : i32 to index
      %get3A_146 = arith.constant 16 : index
      %get3A_147 = tpu.vector_load %arg16[%get3A_145, %get3A_146] {strides = array<i32>} : memref<512x64xf32, #tpu.memory_space<vmem>>, vector<16xf32>,
      %get3A_148 = arith.index_cast %add3A_137 : i32 to index
      %get3A_149 = arith.constant 16 : index
      %get3A_150 = tpu.vector_load %arg17[%get3A_148, %get3A_149] {strides = array<i32>} : memref<512x64xf32, #tpu.memory_space<vmem>>, vector<16xf32>,
      %mul3A_151 = arith.mulf %get3A_147, %get3A_150 : vector<16xf32>
      %add3A_152 = arith.addf %mul3A_144, %mul3A_151 : vector<16xf32>
      %get3A_153 = arith.index_cast %add3A_137 : i32 to index
      %get3A_154 = arith.constant 32 : index
      %get3A_155 = tpu.vector_load %arg16[%get3A_153, %get3A_154] {strides = array<i32>} : memref<512x64xf32, #tpu.memory_space<vmem>>, vector<16xf32>,
      %get3A_156 = arith.index_cast %add3A_137 : i32 to index
      %get3A_157 = arith.constant 32 : index
      %get3A_158 = tpu.vector_load %arg17[%get3A_156, %get3A_157] {strides = array<i32>} : memref<512x64xf32, #tpu.memory_space<vmem>>, vector<16xf32>,
      %mul3A_159 = arith.mulf %get3A_155, %get3A_158 : vector<16xf32>
      %add3A_160 = arith.addf %add3A_152, %mul3A_159 : vector<16xf32>
      %get3A_161 = arith.index_cast %add3A_137 : i32 to index
      %get3A_162 = arith.constant 48 : index
      %get3A_163 = tpu.vector_load %arg16[%get3A_161, %get3A_162] {strides = array<i32>} : memref<512x64xf32, #tpu.memory_space<vmem>>, vector<16xf32>,
      %get3A_164 = arith.index_cast %add3A_137 : i32 to index
      %get3A_165 = arith.constant 48 : index
      %get3A_166 = tpu.vector_load %arg17[%get3A_164, %get3A_165] {strides = array<i32>} : memref<512x64xf32, #tpu.memory_space<vmem>>, vector<16xf32>,
      %mul3A_167 = arith.mulf %get3A_163, %get3A_166 : vector<16xf32>
      %add3A_168 = arith.addf %add3A_160, %mul3A_167 : vector<16xf32>
      %eq3A_169 = arith.constant 2 : i32
      %eq3A_170 = vector.broadcast %eq3A_169 : i32 to vector<16xi32>
      %eq3A_171 = arith.cmpi eq, %iota3A, %eq3A_170 : vector<16xi32>
      %reduce_sum3A_172 = arith.constant true
      %reduce_sum3A_173 = vector.broadcast %reduce_sum3A_172 : i1 to vector<16xi1>
      %reduce_sum3A_174 = tpu.scan <sum>, %add3A_168 masked %reduce_sum3A_173 : vector<16xf32>, vector<16xi1> -> vector<16xf32>
      %reduce_sum3A_175 = vector.extract %reduce_sum3A_174[15] : f32 from vector<16xf32>
      %broadcast_in_dim3A_176 = vector.broadcast %reduce_sum3A_175 : f32 to vector<16xf32>
      %select_n3A_177 = arith.select %eq3A_171, %broadcast_in_dim3A_176, %select_n3A_133 : vector<16xi1>, vector<16xf32>
      %mul3A_178 = arith.constant 16 : i32
      %mul3A_179 = arith.muli %scan3A_46, %mul3A_178 : i32
      %add3A_180 = arith.constant 3 : i32
      %add3A_181 = arith.addi %mul3A_179, %add3A_180 : i32
      %get3A_182 = arith.index_cast %add3A_181 : i32 to index
      %get3A_183 = arith.constant 0 : index
      %get3A_184 = tpu.vector_load %arg16[%get3A_182, %get3A_183] {strides = array<i32>} : memref<512x64xf32, #tpu.memory_space<vmem>>, vector<16xf32>,
      %get3A_185 = arith.index_cast %add3A_181 : i32 to index
      %get3A_186 = arith.constant 0 : index
      %get3A_187 = tpu.vector_load %arg17[%get3A_185, %get3A_186] {strides = array<i32>} : memref<512x64xf32, #tpu.memory_space<vmem>>, vector<16xf32>,
      %mul3A_188 = arith.mulf %get3A_184, %get3A_187 : vector<16xf32>
      %get3A_189 = arith.index_cast %add3A_181 : i32 to index
      %get3A_190 = arith.constant 16 : index
      %get3A_191 = tpu.vector_load %arg16[%get3A_189, %get3A_190] {strides = array<i32>} : memref<512x64xf32, #tpu.memory_space<vmem>>, vector<16xf32>,
      %get3A_192 = arith.index_cast %add3A_181 : i32 to index
      %get3A_193 = arith.constant 16 : index
      %get3A_194 = tpu.vector_load %arg17[%get3A_192, %get3A_193] {strides = array<i32>} : memref<512x64xf32, #tpu.memory_space<vmem>>, vector<16xf32>,
      %mul3A_195 = arith.mulf %get3A_191, %get3A_194 : vector<16xf32>
      %add3A_196 = arith.addf %mul3A_188, %mul3A_195 : vector<16xf32>
      %get3A_197 = arith.index_cast %add3A_181 : i32 to index
      %get3A_198 = arith.constant 32 : index
      %get3A_199 = tpu.vector_load %arg16[%get3A_197, %get3A_198] {strides = array<i32>} : memref<512x64xf32, #tpu.memory_space<vmem>>, vector<16xf32>,
      %get3A_200 = arith.index_cast %add3A_181 : i32 to index
      %get3A_201 = arith.constant 32 : index
      %get3A_202 = tpu.vector_load %arg17[%get3A_200, %get3A_201] {strides = array<i32>} : memref<512x64xf32, #tpu.memory_space<vmem>>, vector<16xf32>,
      %mul3A_203 = arith.mulf %get3A_199, %get3A_202 : vector<16xf32>
      %add3A_204 = arith.addf %add3A_196, %mul3A_203 : vector<16xf32>
      %get3A_205 = arith.index_cast %add3A_181 : i32 to index
      %get3A_206 = arith.constant 48 : index
      %get3A_207 = tpu.vector_load %arg16[%get3A_205, %get3A_206] {strides = array<i32>} : memref<512x64xf32, #tpu.memory_space<vmem>>, vector<16xf32>,
      %get3A_208 = arith.index_cast %add3A_181 : i32 to index
      %get3A_209 = arith.constant 48 : index
      %get3A_210 = tpu.vector_load %arg17[%get3A_208, %get3A_209] {strides = array<i32>} : memref<512x64xf32, #tpu.memory_space<vmem>>, vector<16xf32>,
      %mul3A_211 = arith.mulf %get3A_207, %get3A_210 : vector<16xf32>
      %add3A_212 = arith.addf %add3A_204, %mul3A_211 : vector<16xf32>
      %eq3A_213 = arith.constant 3 : i32
      %eq3A_214 = vector.broadcast %eq3A_213 : i32 to vector<16xi32>
      %eq3A_215 = arith.cmpi eq, %iota3A, %eq3A_214 : vector<16xi32>
      %reduce_sum3A_216 = arith.constant true
      %reduce_sum3A_217 = vector.broadcast %reduce_sum3A_216 : i1 to vector<16xi1>
      %reduce_sum3A_218 = tpu.scan <sum>, %add3A_212 masked %reduce_sum3A_217 : vector<16xf32>, vector<16xi1> -> vector<16xf32>
      %reduce_sum3A_219 = vector.extract %reduce_sum3A_218[15] : f32 from vector<16xf32>
      %broadcast_in_dim3A_220 = vector.broadcast %reduce_sum3A_219 : f32 to vector<16xf32>
      %select_n3A_221 = arith.select %eq3A_215, %broadcast_in_dim3A_220, %select_n3A_177 : vector<16xi1>, vector<16xf32>
      %mul3A_222 = arith.constant 16 : i32
      %mul3A_223 = arith.muli %scan3A_46, %mul3A_222 : i32
      %add3A_224 = arith.constant 4 : i32
      %add3A_225 = arith.addi %mul3A_223, %add3A_224 : i32
      %get3A_226 = arith.index_cast %add3A_225 : i32 to index
      %get3A_227 = arith.constant 0 : index
      %get3A_228 = tpu.vector_load %arg16[%get3A_226, %get3A_227] {strides = array<i32>} : memref<512x64xf32, #tpu.memory_space<vmem>>, vector<16xf32>,
      %get3A_229 = arith.index_cast %add3A_225 : i32 to index
      %get3A_230 = arith.constant 0 : index
      %get3A_231 = tpu.vector_load %arg17[%get3A_229, %get3A_230] {strides = array<i32>} : memref<512x64xf32, #tpu.memory_space<vmem>>, vector<16xf32>,
      %mul3A_232 = arith.mulf %get3A_228, %get3A_231 : vector<16xf32>
      %get3A_233 = arith.index_cast %add3A_225 : i32 to index
      %get3A_234 = arith.constant 16 : index
      %get3A_235 = tpu.vector_load %arg16[%get3A_233, %get3A_234] {strides = array<i32>} : memref<512x64xf32, #tpu.memory_space<vmem>>, vector<16xf32>,
      %get3A_236 = arith.index_cast %add3A_225 : i32 to index
      %get3A_237 = arith.constant 16 : index
      %get3A_238 = tpu.vector_load %arg17[%get3A_236, %get3A_237] {strides = array<i32>} : memref<512x64xf32, #tpu.memory_space<vmem>>, vector<16xf32>,
      %mul3A_239 = arith.mulf %get3A_235, %get3A_238 : vector<16xf32>
      %add3A_240 = arith.addf %mul3A_232, %mul3A_239 : vector<16xf32>
      %get3A_241 = arith.index_cast %add3A_225 : i32 to index
      %get3A_242 = arith.constant 32 : index
      %get3A_243 = tpu.vector_load %arg16[%get3A_241, %get3A_242] {strides = array<i32>} : memref<512x64xf32, #tpu.memory_space<vmem>>, vector<16xf32>,
      %get3A_244 = arith.index_cast %add3A_225 : i32 to index
      %get3A_245 = arith.constant 32 : index
      %get3A_246 = tpu.vector_load %arg17[%get3A_244, %get3A_245] {strides = array<i32>} : memref<512x64xf32, #tpu.memory_space<vmem>>, vector<16xf32>,
      %mul3A_247 = arith.mulf %get3A_243, %get3A_246 : vector<16xf32>
      %add3A_248 = arith.addf %add3A_240, %mul3A_247 : vector<16xf32>
      %get3A_249 = arith.index_cast %add3A_225 : i32 to index
      %get3A_250 = arith.constant 48 : index
      %get3A_251 = tpu.vector_load %arg16[%get3A_249, %get3A_250] {strides = array<i32>} : memref<512x64xf32, #tpu.memory_space<vmem>>, vector<16xf32>,
      %get3A_252 = arith.index_cast %add3A_225 : i32 to index
      %get3A_253 = arith.constant 48 : index
      %get3A_254 = tpu.vector_load %arg17[%get3A_252, %get3A_253] {strides = array<i32>} : memref<512x64xf32, #tpu.memory_space<vmem>>, vector<16xf32>,
      %mul3A_255 = arith.mulf %get3A_251, %get3A_254 : vector<16xf32>
      %add3A_256 = arith.addf %add3A_248, %mul3A_255 : vector<16xf32>
      %eq3A_257 = arith.constant 4 : i32
      %eq3A_258 = vector.broadcast %eq3A_257 : i32 to vector<16xi32>
      %eq3A_259 = arith.cmpi eq, %iota3A, %eq3A_258 : vector<16xi32>
      %reduce_sum3A_260 = arith.constant true
      %reduce_sum3A_261 = vector.broadcast %reduce_sum3A_260 : i1 to vector<16xi1>
      %reduce_sum3A_262 = tpu.scan <sum>, %add3A_256 masked %reduce_sum3A_261 : vector<16xf32>, vector<16xi1> -> vector<16xf32>
      %reduce_sum3A_263 = vector.extract %reduce_sum3A_262[15] : f32 from vector<16xf32>
      %broadcast_in_dim3A_264 = vector.broadcast %reduce_sum3A_263 : f32 to vector<16xf32>
      %select_n3A_265 = arith.select %eq3A_259, %broadcast_in_dim3A_264, %select_n3A_221 : vector<16xi1>, vector<16xf32>
      %mul3A_266 = arith.constant 16 : i32
      %mul3A_267 = arith.muli %scan3A_46, %mul3A_266 : i32
      %add3A_268 = arith.constant 5 : i32
      %add3A_269 = arith.addi %mul3A_267, %add3A_268 : i32
      %get3A_270 = arith.index_cast %add3A_269 : i32 to index
      %get3A_271 = arith.constant 0 : index
      %get3A_272 = tpu.vector_load %arg16[%get3A_270, %get3A_271] {strides = array<i32>} : memref<512x64xf32, #tpu.memory_space<vmem>>, vector<16xf32>,
      %get3A_273 = arith.index_cast %add3A_269 : i32 to index
      %get3A_274 = arith.constant 0 : index
      %get3A_275 = tpu.vector_load %arg17[%get3A_273, %get3A_274] {strides = array<i32>} : memref<512x64xf32, #tpu.memory_space<vmem>>, vector<16xf32>,
      %mul3A_276 = arith.mulf %get3A_272, %get3A_275 : vector<16xf32>
      %get3A_277 = arith.index_cast %add3A_269 : i32 to index
      %get3A_278 = arith.constant 16 : index
      %get3A_279 = tpu.vector_load %arg16[%get3A_277, %get3A_278] {strides = array<i32>} : memref<512x64xf32, #tpu.memory_space<vmem>>, vector<16xf32>,
      %get3A_280 = arith.index_cast %add3A_269 : i32 to index
      %get3A_281 = arith.constant 16 : index
      %get3A_282 = tpu.vector_load %arg17[%get3A_280, %get3A_281] {strides = array<i32>} : memref<512x64xf32, #tpu.memory_space<vmem>>, vector<16xf32>,
      %mul3A_283 = arith.mulf %get3A_279, %get3A_282 : vector<16xf32>
      %add3A_284 = arith.addf %mul3A_276, %mul3A_283 : vector<16xf32>
      %get3A_285 = arith.index_cast %add3A_269 : i32 to index
      %get3A_286 = arith.constant 32 : index
      %get3A_287 = tpu.vector_load %arg16[%get3A_285, %get3A_286] {strides = array<i32>} : memref<512x64xf32, #tpu.memory_space<vmem>>, vector<16xf32>,
      %get3A_288 = arith.index_cast %add3A_269 : i32 to index
      %get3A_289 = arith.constant 32 : index
      %get3A_290 = tpu.vector_load %arg17[%get3A_288, %get3A_289] {strides = array<i32>} : memref<512x64xf32, #tpu.memory_space<vmem>>, vector<16xf32>,
      %mul3A_291 = arith.mulf %get3A_287, %get3A_290 : vector<16xf32>
      %add3A_292 = arith.addf %add3A_284, %mul3A_291 : vector<16xf32>
      %get3A_293 = arith.index_cast %add3A_269 : i32 to index
      %get3A_294 = arith.constant 48 : index
      %get3A_295 = tpu.vector_load %arg16[%get3A_293, %get3A_294] {strides = array<i32>} : memref<512x64xf32, #tpu.memory_space<vmem>>, vector<16xf32>,
      %get3A_296 = arith.index_cast %add3A_269 : i32 to index
      %get3A_297 = arith.constant 48 : index
      %get3A_298 = tpu.vector_load %arg17[%get3A_296, %get3A_297] {strides = array<i32>} : memref<512x64xf32, #tpu.memory_space<vmem>>, vector<16xf32>,
      %mul3A_299 = arith.mulf %get3A_295, %get3A_298 : vector<16xf32>
      %add3A_300 = arith.addf %add3A_292, %mul3A_299 : vector<16xf32>
      %eq3A_301 = arith.constant 5 : i32
      %eq3A_302 = vector.broadcast %eq3A_301 : i32 to vector<16xi32>
      %eq3A_303 = arith.cmpi eq, %iota3A, %eq3A_302 : vector<16xi32>
      %reduce_sum3A_304 = arith.constant true
      %reduce_sum3A_305 = vector.broadcast %reduce_sum3A_304 : i1 to vector<16xi1>
      %reduce_sum3A_306 = tpu.scan <sum>, %add3A_300 masked %reduce_sum3A_305 : vector<16xf32>, vector<16xi1> -> vector<16xf32>
      %reduce_sum3A_307 = vector.extract %reduce_sum3A_306[15] : f32 from vector<16xf32>
      %broadcast_in_dim3A_308 = vector.broadcast %reduce_sum3A_307 : f32 to vector<16xf32>
      %select_n3A_309 = arith.select %eq3A_303, %broadcast_in_dim3A_308, %select_n3A_265 : vector<16xi1>, vector<16xf32>
      %mul3A_310 = arith.constant 16 : i32
      %mul3A_311 = arith.muli %scan3A_46, %mul3A_310 : i32
      %add3A_312 = arith.constant 6 : i32
      %add3A_313 = arith.addi %mul3A_311, %add3A_312 : i32
      %get3A_314 = arith.index_cast %add3A_313 : i32 to index
      %get3A_315 = arith.constant 0 : index
      %get3A_316 = tpu.vector_load %arg16[%get3A_314, %get3A_315] {strides = array<i32>} : memref<512x64xf32, #tpu.memory_space<vmem>>, vector<16xf32>,
      %get3A_317 = arith.index_cast %add3A_313 : i32 to index
      %get3A_318 = arith.constant 0 : index
      %get3A_319 = tpu.vector_load %arg17[%get3A_317, %get3A_318] {strides = array<i32>} : memref<512x64xf32, #tpu.memory_space<vmem>>, vector<16xf32>,
      %mul3A_320 = arith.mulf %get3A_316, %get3A_319 : vector<16xf32>
      %get3A_321 = arith.index_cast %add3A_313 : i32 to index
      %get3A_322 = arith.constant 16 : index
      %get3A_323 = tpu.vector_load %arg16[%get3A_321, %get3A_322] {strides = array<i32>} : memref<512x64xf32, #tpu.memory_space<vmem>>, vector<16xf32>,
      %get3A_324 = arith.index_cast %add3A_313 : i32 to index
      %get3A_325 = arith.constant 16 : index
      %get3A_326 = tpu.vector_load %arg17[%get3A_324, %get3A_325] {strides = array<i32>} : memref<512x64xf32, #tpu.memory_space<vmem>>, vector<16xf32>,
      %mul3A_327 = arith.mulf %get3A_323, %get3A_326 : vector<16xf32>
      %add3A_328 = arith.addf %mul3A_320, %mul3A_327 : vector<16xf32>
      %get3A_329 = arith.index_cast %add3A_313 : i32 to index
      %get3A_330 = arith.constant 32 : index
      %get3A_331 = tpu.vector_load %arg16[%get3A_329, %get3A_330] {strides = array<i32>} : memref<512x64xf32, #tpu.memory_space<vmem>>, vector<16xf32>,
      %get3A_332 = arith.index_cast %add3A_313 : i32 to index
      %get3A_333 = arith.constant 32 : index
      %get3A_334 = tpu.vector_load %arg17[%get3A_332, %get3A_333] {strides = array<i32>} : memref<512x64xf32, #tpu.memory_space<vmem>>, vector<16xf32>,
      %mul3A_335 = arith.mulf %get3A_331, %get3A_334 : vector<16xf32>
      %add3A_336 = arith.addf %add3A_328, %mul3A_335 : vector<16xf32>
      %get3A_337 = arith.index_cast %add3A_313 : i32 to index
      %get3A_338 = arith.constant 48 : index
      %get3A_339 = tpu.vector_load %arg16[%get3A_337, %get3A_338] {strides = array<i32>} : memref<512x64xf32, #tpu.memory_space<vmem>>, vector<16xf32>,
      %get3A_340 = arith.index_cast %add3A_313 : i32 to index
      %get3A_341 = arith.constant 48 : index
      %get3A_342 = tpu.vector_load %arg17[%get3A_340, %get3A_341] {strides = array<i32>} : memref<512x64xf32, #tpu.memory_space<vmem>>, vector<16xf32>,
      %mul3A_343 = arith.mulf %get3A_339, %get3A_342 : vector<16xf32>
      %add3A_344 = arith.addf %add3A_336, %mul3A_343 : vector<16xf32>
      %eq3A_345 = arith.constant 6 : i32
      %eq3A_346 = vector.broadcast %eq3A_345 : i32 to vector<16xi32>
      %eq3A_347 = arith.cmpi eq, %iota3A, %eq3A_346 : vector<16xi32>
      %reduce_sum3A_348 = arith.constant true
      %reduce_sum3A_349 = vector.broadcast %reduce_sum3A_348 : i1 to vector<16xi1>
      %reduce_sum3A_350 = tpu.scan <sum>, %add3A_344 masked %reduce_sum3A_349 : vector<16xf32>, vector<16xi1> -> vector<16xf32>
      %reduce_sum3A_351 = vector.extract %reduce_sum3A_350[15] : f32 from vector<16xf32>
      %broadcast_in_dim3A_352 = vector.broadcast %reduce_sum3A_351 : f32 to vector<16xf32>
      %select_n3A_353 = arith.select %eq3A_347, %broadcast_in_dim3A_352, %select_n3A_309 : vector<16xi1>, vector<16xf32>
      %mul3A_354 = arith.constant 16 : i32
      %mul3A_355 = arith.muli %scan3A_46, %mul3A_354 : i32
      %add3A_356 = arith.constant 7 : i32
      %add3A_357 = arith.addi %mul3A_355, %add3A_356 : i32
      %get3A_358 = arith.index_cast %add3A_357 : i32 to index
      %get3A_359 = arith.constant 0 : index
      %get3A_360 = tpu.vector_load %arg16[%get3A_358, %get3A_359] {strides = array<i32>} : memref<512x64xf32, #tpu.memory_space<vmem>>, vector<16xf32>,
      %get3A_361 = arith.index_cast %add3A_357 : i32 to index
      %get3A_362 = arith.constant 0 : index
      %get3A_363 = tpu.vector_load %arg17[%get3A_361, %get3A_362] {strides = array<i32>} : memref<512x64xf32, #tpu.memory_space<vmem>>, vector<16xf32>,
      %mul3A_364 = arith.mulf %get3A_360, %get3A_363 : vector<16xf32>
      %get3A_365 = arith.index_cast %add3A_357 : i32 to index
      %get3A_366 = arith.constant 16 : index
      %get3A_367 = tpu.vector_load %arg16[%get3A_365, %get3A_366] {strides = array<i32>} : memref<512x64xf32, #tpu.memory_space<vmem>>, vector<16xf32>,
      %get3A_368 = arith.index_cast %add3A_357 : i32 to index
      %get3A_369 = arith.constant 16 : index
      %get3A_370 = tpu.vector_load %arg17[%get3A_368, %get3A_369] {strides = array<i32>} : memref<512x64xf32, #tpu.memory_space<vmem>>, vector<16xf32>,
      %mul3A_371 = arith.mulf %get3A_367, %get3A_370 : vector<16xf32>
      %add3A_372 = arith.addf %mul3A_364, %mul3A_371 : vector<16xf32>
      %get3A_373 = arith.index_cast %add3A_357 : i32 to index
      %get3A_374 = arith.constant 32 : index
      %get3A_375 = tpu.vector_load %arg16[%get3A_373, %get3A_374] {strides = array<i32>} : memref<512x64xf32, #tpu.memory_space<vmem>>, vector<16xf32>,
      %get3A_376 = arith.index_cast %add3A_357 : i32 to index
      %get3A_377 = arith.constant 32 : index
      %get3A_378 = tpu.vector_load %arg17[%get3A_376, %get3A_377] {strides = array<i32>} : memref<512x64xf32, #tpu.memory_space<vmem>>, vector<16xf32>,
      %mul3A_379 = arith.mulf %get3A_375, %get3A_378 : vector<16xf32>
      %add3A_380 = arith.addf %add3A_372, %mul3A_379 : vector<16xf32>
      %get3A_381 = arith.index_cast %add3A_357 : i32 to index
      %get3A_382 = arith.constant 48 : index
      %get3A_383 = tpu.vector_load %arg16[%get3A_381, %get3A_382] {strides = array<i32>} : memref<512x64xf32, #tpu.memory_space<vmem>>, vector<16xf32>,
      %get3A_384 = arith.index_cast %add3A_357 : i32 to index
      %get3A_385 = arith.constant 48 : index
      %get3A_386 = tpu.vector_load %arg17[%get3A_384, %get3A_385] {strides = array<i32>} : memref<512x64xf32, #tpu.memory_space<vmem>>, vector<16xf32>,
      %mul3A_387 = arith.mulf %get3A_383, %get3A_386 : vector<16xf32>
      %add3A_388 = arith.addf %add3A_380, %mul3A_387 : vector<16xf32>
      %eq3A_389 = arith.constant 7 : i32
      %eq3A_390 = vector.broadcast %eq3A_389 : i32 to vector<16xi32>
      %eq3A_391 = arith.cmpi eq, %iota3A, %eq3A_390 : vector<16xi32>
      %reduce_sum3A_392 = arith.constant true
      %reduce_sum3A_393 = vector.broadcast %reduce_sum3A_392 : i1 to vector<16xi1>
      %reduce_sum3A_394 = tpu.scan <sum>, %add3A_388 masked %reduce_sum3A_393 : vector<16xf32>, vector<16xi1> -> vector<16xf32>
      %reduce_sum3A_395 = vector.extract %reduce_sum3A_394[15] : f32 from vector<16xf32>
      %broadcast_in_dim3A_396 = vector.broadcast %reduce_sum3A_395 : f32 to vector<16xf32>
      %select_n3A_397 = arith.select %eq3A_391, %broadcast_in_dim3A_396, %select_n3A_353 : vector<16xi1>, vector<16xf32>
      %mul3A_398 = arith.constant 16 : i32
      %mul3A_399 = arith.muli %scan3A_46, %mul3A_398 : i32
      %add3A_400 = arith.constant 8 : i32
      %add3A_401 = arith.addi %mul3A_399, %add3A_400 : i32
      %get3A_402 = arith.index_cast %add3A_401 : i32 to index
      %get3A_403 = arith.constant 0 : index
      %get3A_404 = tpu.vector_load %arg16[%get3A_402, %get3A_403] {strides = array<i32>} : memref<512x64xf32, #tpu.memory_space<vmem>>, vector<16xf32>,
      %get3A_405 = arith.index_cast %add3A_401 : i32 to index
      %get3A_406 = arith.constant 0 : index
      %get3A_407 = tpu.vector_load %arg17[%get3A_405, %get3A_406] {strides = array<i32>} : memref<512x64xf32, #tpu.memory_space<vmem>>, vector<16xf32>,
      %mul3A_408 = arith.mulf %get3A_404, %get3A_407 : vector<16xf32>
      %get3A_409 = arith.index_cast %add3A_401 : i32 to index
      %get3A_410 = arith.constant 16 : index
      %get3A_411 = tpu.vector_load %arg16[%get3A_409, %get3A_410] {strides = array<i32>} : memref<512x64xf32, #tpu.memory_space<vmem>>, vector<16xf32>,
      %get3A_412 = arith.index_cast %add3A_401 : i32 to index
      %get3A_413 = arith.constant 16 : index
      %get3A_414 = tpu.vector_load %arg17[%get3A_412, %get3A_413] {strides = array<i32>} : memref<512x64xf32, #tpu.memory_space<vmem>>, vector<16xf32>,
      %mul3A_415 = arith.mulf %get3A_411, %get3A_414 : vector<16xf32>
      %add3A_416 = arith.addf %mul3A_408, %mul3A_415 : vector<16xf32>
      %get3A_417 = arith.index_cast %add3A_401 : i32 to index
      %get3A_418 = arith.constant 32 : index
      %get3A_419 = tpu.vector_load %arg16[%get3A_417, %get3A_418] {strides = array<i32>} : memref<512x64xf32, #tpu.memory_space<vmem>>, vector<16xf32>,
      %get3A_420 = arith.index_cast %add3A_401 : i32 to index
      %get3A_421 = arith.constant 32 : index
      %get3A_422 = tpu.vector_load %arg17[%get3A_420, %get3A_421] {strides = array<i32>} : memref<512x64xf32, #tpu.memory_space<vmem>>, vector<16xf32>,
      %mul3A_423 = arith.mulf %get3A_419, %get3A_422 : vector<16xf32>
      %add3A_424 = arith.addf %add3A_416, %mul3A_423 : vector<16xf32>
      %get3A_425 = arith.index_cast %add3A_401 : i32 to index
      %get3A_426 = arith.constant 48 : index
      %get3A_427 = tpu.vector_load %arg16[%get3A_425, %get3A_426] {strides = array<i32>} : memref<512x64xf32, #tpu.memory_space<vmem>>, vector<16xf32>,
      %get3A_428 = arith.index_cast %add3A_401 : i32 to index
      %get3A_429 = arith.constant 48 : index
      %get3A_430 = tpu.vector_load %arg17[%get3A_428, %get3A_429] {strides = array<i32>} : memref<512x64xf32, #tpu.memory_space<vmem>>, vector<16xf32>,
      %mul3A_431 = arith.mulf %get3A_427, %get3A_430 : vector<16xf32>
      %add3A_432 = arith.addf %add3A_424, %mul3A_431 : vector<16xf32>
      %eq3A_433 = arith.constant 8 : i32
      %eq3A_434 = vector.broadcast %eq3A_433 : i32 to vector<16xi32>
      %eq3A_435 = arith.cmpi eq, %iota3A, %eq3A_434 : vector<16xi32>
      %reduce_sum3A_436 = arith.constant true
      %reduce_sum3A_437 = vector.broadcast %reduce_sum3A_436 : i1 to vector<16xi1>
      %reduce_sum3A_438 = tpu.scan <sum>, %add3A_432 masked %reduce_sum3A_437 : vector<16xf32>, vector<16xi1> -> vector<16xf32>
      %reduce_sum3A_439 = vector.extract %reduce_sum3A_438[15] : f32 from vector<16xf32>
      %broadcast_in_dim3A_440 = vector.broadcast %reduce_sum3A_439 : f32 to vector<16xf32>
      %select_n3A_441 = arith.select %eq3A_435, %broadcast_in_dim3A_440, %select_n3A_397 : vector<16xi1>, vector<16xf32>
      %mul3A_442 = arith.constant 16 : i32
      %mul3A_443 = arith.muli %scan3A_46, %mul3A_442 : i32
      %add3A_444 = arith.constant 9 : i32
      %add3A_445 = arith.addi %mul3A_443, %add3A_444 : i32
      %get3A_446 = arith.index_cast %add3A_445 : i32 to index
      %get3A_447 = arith.constant 0 : index
      %get3A_448 = tpu.vector_load %arg16[%get3A_446, %get3A_447] {strides = array<i32>} : memref<512x64xf32, #tpu.memory_space<vmem>>, vector<16xf32>,
      %get3A_449 = arith.index_cast %add3A_445 : i32 to index
      %get3A_450 = arith.constant 0 : index
      %get3A_451 = tpu.vector_load %arg17[%get3A_449, %get3A_450] {strides = array<i32>} : memref<512x64xf32, #tpu.memory_space<vmem>>, vector<16xf32>,
      %mul3A_452 = arith.mulf %get3A_448, %get3A_451 : vector<16xf32>
      %get3A_453 = arith.index_cast %add3A_445 : i32 to index
      %get3A_454 = arith.constant 16 : index
      %get3A_455 = tpu.vector_load %arg16[%get3A_453, %get3A_454] {strides = array<i32>} : memref<512x64xf32, #tpu.memory_space<vmem>>, vector<16xf32>,
      %get3A_456 = arith.index_cast %add3A_445 : i32 to index
      %get3A_457 = arith.constant 16 : index
      %get3A_458 = tpu.vector_load %arg17[%get3A_456, %get3A_457] {strides = array<i32>} : memref<512x64xf32, #tpu.memory_space<vmem>>, vector<16xf32>,
      %mul3A_459 = arith.mulf %get3A_455, %get3A_458 : vector<16xf32>
      %add3A_460 = arith.addf %mul3A_452, %mul3A_459 : vector<16xf32>
      %get3A_461 = arith.index_cast %add3A_445 : i32 to index
      %get3A_462 = arith.constant 32 : index
      %get3A_463 = tpu.vector_load %arg16[%get3A_461, %get3A_462] {strides = array<i32>} : memref<512x64xf32, #tpu.memory_space<vmem>>, vector<16xf32>,
      %get3A_464 = arith.index_cast %add3A_445 : i32 to index
      %get3A_465 = arith.constant 32 : index
      %get3A_466 = tpu.vector_load %arg17[%get3A_464, %get3A_465] {strides = array<i32>} : memref<512x64xf32, #tpu.memory_space<vmem>>, vector<16xf32>,
      %mul3A_467 = arith.mulf %get3A_463, %get3A_466 : vector<16xf32>
      %add3A_468 = arith.addf %add3A_460, %mul3A_467 : vector<16xf32>
      %get3A_469 = arith.index_cast %add3A_445 : i32 to index
      %get3A_470 = arith.constant 48 : index
      %get3A_471 = tpu.vector_load %arg16[%get3A_469, %get3A_470] {strides = array<i32>} : memref<512x64xf32, #tpu.memory_space<vmem>>, vector<16xf32>,
      %get3A_472 = arith.index_cast %add3A_445 : i32 to index
      %get3A_473 = arith.constant 48 : index
      %get3A_474 = tpu.vector_load %arg17[%get3A_472, %get3A_473] {strides = array<i32>} : memref<512x64xf32, #tpu.memory_space<vmem>>, vector<16xf32>,
      %mul3A_475 = arith.mulf %get3A_471, %get3A_474 : vector<16xf32>
      %add3A_476 = arith.addf %add3A_468, %mul3A_475 : vector<16xf32>
      %eq3A_477 = arith.constant 9 : i32
      %eq3A_478 = vector.broadcast %eq3A_477 : i32 to vector<16xi32>
      %eq3A_479 = arith.cmpi eq, %iota3A, %eq3A_478 : vector<16xi32>
      %reduce_sum3A_480 = arith.constant true
      %reduce_sum3A_481 = vector.broadcast %reduce_sum3A_480 : i1 to vector<16xi1>
      %reduce_sum3A_482 = tpu.scan <sum>, %add3A_476 masked %reduce_sum3A_481 : vector<16xf32>, vector<16xi1> -> vector<16xf32>
      %reduce_sum3A_483 = vector.extract %reduce_sum3A_482[15] : f32 from vector<16xf32>
      %broadcast_in_dim3A_484 = vector.broadcast %reduce_sum3A_483 : f32 to vector<16xf32>
      %select_n3A_485 = arith.select %eq3A_479, %broadcast_in_dim3A_484, %select_n3A_441 : vector<16xi1>, vector<16xf32>
      %mul3A_486 = arith.constant 16 : i32
      %mul3A_487 = arith.muli %scan3A_46, %mul3A_486 : i32
      %add3A_488 = arith.constant 10 : i32
      %add3A_489 = arith.addi %mul3A_487, %add3A_488 : i32
      %get3A_490 = arith.index_cast %add3A_489 : i32 to index
      %get3A_491 = arith.constant 0 : index
      %get3A_492 = tpu.vector_load %arg16[%get3A_490, %get3A_491] {strides = array<i32>} : memref<512x64xf32, #tpu.memory_space<vmem>>, vector<16xf32>,
      %get3A_493 = arith.index_cast %add3A_489 : i32 to index
      %get3A_494 = arith.constant 0 : index
      %get3A_495 = tpu.vector_load %arg17[%get3A_493, %get3A_494] {strides = array<i32>} : memref<512x64xf32, #tpu.memory_space<vmem>>, vector<16xf32>,
      %mul3A_496 = arith.mulf %get3A_492, %get3A_495 : vector<16xf32>
      %get3A_497 = arith.index_cast %add3A_489 : i32 to index
      %get3A_498 = arith.constant 16 : index
      %get3A_499 = tpu.vector_load %arg16[%get3A_497, %get3A_498] {strides = array<i32>} : memref<512x64xf32, #tpu.memory_space<vmem>>, vector<16xf32>,
      %get3A_500 = arith.index_cast %add3A_489 : i32 to index
      %get3A_501 = arith.constant 16 : index
      %get3A_502 = tpu.vector_load %arg17[%get3A_500, %get3A_501] {strides = array<i32>} : memref<512x64xf32, #tpu.memory_space<vmem>>, vector<16xf32>,
      %mul3A_503 = arith.mulf %get3A_499, %get3A_502 : vector<16xf32>
      %add3A_504 = arith.addf %mul3A_496, %mul3A_503 : vector<16xf32>
      %get3A_505 = arith.index_cast %add3A_489 : i32 to index
      %get3A_506 = arith.constant 32 : index
      %get3A_507 = tpu.vector_load %arg16[%get3A_505, %get3A_506] {strides = array<i32>} : memref<512x64xf32, #tpu.memory_space<vmem>>, vector<16xf32>,
      %get3A_508 = arith.index_cast %add3A_489 : i32 to index
      %get3A_509 = arith.constant 32 : index
      %get3A_510 = tpu.vector_load %arg17[%get3A_508, %get3A_509] {strides = array<i32>} : memref<512x64xf32, #tpu.memory_space<vmem>>, vector<16xf32>,
      %mul3A_511 = arith.mulf %get3A_507, %get3A_510 : vector<16xf32>
      %add3A_512 = arith.addf %add3A_504, %mul3A_511 : vector<16xf32>
      %get3A_513 = arith.index_cast %add3A_489 : i32 to index
      %get3A_514 = arith.constant 48 : index
      %get3A_515 = tpu.vector_load %arg16[%get3A_513, %get3A_514] {strides = array<i32>} : memref<512x64xf32, #tpu.memory_space<vmem>>, vector<16xf32>,
      %get3A_516 = arith.index_cast %add3A_489 : i32 to index
      %get3A_517 = arith.constant 48 : index
      %get3A_518 = tpu.vector_load %arg17[%get3A_516, %get3A_517] {strides = array<i32>} : memref<512x64xf32, #tpu.memory_space<vmem>>, vector<16xf32>,
      %mul3A_519 = arith.mulf %get3A_515, %get3A_518 : vector<16xf32>
      %add3A_520 = arith.addf %add3A_512, %mul3A_519 : vector<16xf32>
      %eq3A_521 = arith.constant 10 : i32
      %eq3A_522 = vector.broadcast %eq3A_521 : i32 to vector<16xi32>
      %eq3A_523 = arith.cmpi eq, %iota3A, %eq3A_522 : vector<16xi32>
      %reduce_sum3A_524 = arith.constant true
      %reduce_sum3A_525 = vector.broadcast %reduce_sum3A_524 : i1 to vector<16xi1>
      %reduce_sum3A_526 = tpu.scan <sum>, %add3A_520 masked %reduce_sum3A_525 : vector<16xf32>, vector<16xi1> -> vector<16xf32>
      %reduce_sum3A_527 = vector.extract %reduce_sum3A_526[15] : f32 from vector<16xf32>
      %broadcast_in_dim3A_528 = vector.broadcast %reduce_sum3A_527 : f32 to vector<16xf32>
      %select_n3A_529 = arith.select %eq3A_523, %broadcast_in_dim3A_528, %select_n3A_485 : vector<16xi1>, vector<16xf32>
      %mul3A_530 = arith.constant 16 : i32
      %mul3A_531 = arith.muli %scan3A_46, %mul3A_530 : i32
      %add3A_532 = arith.constant 11 : i32
      %add3A_533 = arith.addi %mul3A_531, %add3A_532 : i32
      %get3A_534 = arith.index_cast %add3A_533 : i32 to index
      %get3A_535 = arith.constant 0 : index
      %get3A_536 = tpu.vector_load %arg16[%get3A_534, %get3A_535] {strides = array<i32>} : memref<512x64xf32, #tpu.memory_space<vmem>>, vector<16xf32>,
      %get3A_537 = arith.index_cast %add3A_533 : i32 to index
      %get3A_538 = arith.constant 0 : index
      %get3A_539 = tpu.vector_load %arg17[%get3A_537, %get3A_538] {strides = array<i32>} : memref<512x64xf32, #tpu.memory_space<vmem>>, vector<16xf32>,
      %mul3A_540 = arith.mulf %get3A_536, %get3A_539 : vector<16xf32>
      %get3A_541 = arith.index_cast %add3A_533 : i32 to index
      %get3A_542 = arith.constant 16 : index
      %get3A_543 = tpu.vector_load %arg16[%get3A_541, %get3A_542] {strides = array<i32>} : memref<512x64xf32, #tpu.memory_space<vmem>>, vector<16xf32>,
      %get3A_544 = arith.index_cast %add3A_533 : i32 to index
      %get3A_545 = arith.constant 16 : index
      %get3A_546 = tpu.vector_load %arg17[%get3A_544, %get3A_545] {strides = array<i32>} : memref<512x64xf32, #tpu.memory_space<vmem>>, vector<16xf32>,
      %mul3A_547 = arith.mulf %get3A_543, %get3A_546 : vector<16xf32>
      %add3A_548 = arith.addf %mul3A_540, %mul3A_547 : vector<16xf32>
      %get3A_549 = arith.index_cast %add3A_533 : i32 to index
      %get3A_550 = arith.constant 32 : index
      %get3A_551 = tpu.vector_load %arg16[%get3A_549, %get3A_550] {strides = array<i32>} : memref<512x64xf32, #tpu.memory_space<vmem>>, vector<16xf32>,
      %get3A_552 = arith.index_cast %add3A_533 : i32 to index
      %get3A_553 = arith.constant 32 : index
      %get3A_554 = tpu.vector_load %arg17[%get3A_552, %get3A_553] {strides = array<i32>} : memref<512x64xf32, #tpu.memory_space<vmem>>, vector<16xf32>,
      %mul3A_555 = arith.mulf %get3A_551, %get3A_554 : vector<16xf32>
      %add3A_556 = arith.addf %add3A_548, %mul3A_555 : vector<16xf32>
      %get3A_557 = arith.index_cast %add3A_533 : i32 to index
      %get3A_558 = arith.constant 48 : index
      %get3A_559 = tpu.vector_load %arg16[%get3A_557, %get3A_558] {strides = array<i32>} : memref<512x64xf32, #tpu.memory_space<vmem>>, vector<16xf32>,
      %get3A_560 = arith.index_cast %add3A_533 : i32 to index
      %get3A_561 = arith.constant 48 : index
      %get3A_562 = tpu.vector_load %arg17[%get3A_560, %get3A_561] {strides = array<i32>} : memref<512x64xf32, #tpu.memory_space<vmem>>, vector<16xf32>,
      %mul3A_563 = arith.mulf %get3A_559, %get3A_562 : vector<16xf32>
      %add3A_564 = arith.addf %add3A_556, %mul3A_563 : vector<16xf32>
      %eq3A_565 = arith.constant 11 : i32
      %eq3A_566 = vector.broadcast %eq3A_565 : i32 to vector<16xi32>
      %eq3A_567 = arith.cmpi eq, %iota3A, %eq3A_566 : vector<16xi32>
      %reduce_sum3A_568 = arith.constant true
      %reduce_sum3A_569 = vector.broadcast %reduce_sum3A_568 : i1 to vector<16xi1>
      %reduce_sum3A_570 = tpu.scan <sum>, %add3A_564 masked %reduce_sum3A_569 : vector<16xf32>, vector<16xi1> -> vector<16xf32>
      %reduce_sum3A_571 = vector.extract %reduce_sum3A_570[15] : f32 from vector<16xf32>
      %broadcast_in_dim3A_572 = vector.broadcast %reduce_sum3A_571 : f32 to vector<16xf32>
      %select_n3A_573 = arith.select %eq3A_567, %broadcast_in_dim3A_572, %select_n3A_529 : vector<16xi1>, vector<16xf32>
      %mul3A_574 = arith.constant 16 : i32
      %mul3A_575 = arith.muli %scan3A_46, %mul3A_574 : i32
      %add3A_576 = arith.constant 12 : i32
      %add3A_577 = arith.addi %mul3A_575, %add3A_576 : i32
      %get3A_578 = arith.index_cast %add3A_577 : i32 to index
      %get3A_579 = arith.constant 0 : index
      %get3A_580 = tpu.vector_load %arg16[%get3A_578, %get3A_579] {strides = array<i32>} : memref<512x64xf32, #tpu.memory_space<vmem>>, vector<16xf32>,
      %get3A_581 = arith.index_cast %add3A_577 : i32 to index
      %get3A_582 = arith.constant 0 : index
      %get3A_583 = tpu.vector_load %arg17[%get3A_581, %get3A_582] {strides = array<i32>} : memref<512x64xf32, #tpu.memory_space<vmem>>, vector<16xf32>,
      %mul3A_584 = arith.mulf %get3A_580, %get3A_583 : vector<16xf32>
      %get3A_585 = arith.index_cast %add3A_577 : i32 to index
      %get3A_586 = arith.constant 16 : index
      %get3A_587 = tpu.vector_load %arg16[%get3A_585, %get3A_586] {strides = array<i32>} : memref<512x64xf32, #tpu.memory_space<vmem>>, vector<16xf32>,
      %get3A_588 = arith.index_cast %add3A_577 : i32 to index
      %get3A_589 = arith.constant 16 : index
      %get3A_590 = tpu.vector_load %arg17[%get3A_588, %get3A_589] {strides = array<i32>} : memref<512x64xf32, #tpu.memory_space<vmem>>, vector<16xf32>,
      %mul3A_591 = arith.mulf %get3A_587, %get3A_590 : vector<16xf32>
      %add3A_592 = arith.addf %mul3A_584, %mul3A_591 : vector<16xf32>
      %get3A_593 = arith.index_cast %add3A_577 : i32 to index
      %get3A_594 = arith.constant 32 : index
      %get3A_595 = tpu.vector_load %arg16[%get3A_593, %get3A_594] {strides = array<i32>} : memref<512x64xf32, #tpu.memory_space<vmem>>, vector<16xf32>,
      %get3A_596 = arith.index_cast %add3A_577 : i32 to index
      %get3A_597 = arith.constant 32 : index
      %get3A_598 = tpu.vector_load %arg17[%get3A_596, %get3A_597] {strides = array<i32>} : memref<512x64xf32, #tpu.memory_space<vmem>>, vector<16xf32>,
      %mul3A_599 = arith.mulf %get3A_595, %get3A_598 : vector<16xf32>
      %add3A_600 = arith.addf %add3A_592, %mul3A_599 : vector<16xf32>
      %get3A_601 = arith.index_cast %add3A_577 : i32 to index
      %get3A_602 = arith.constant 48 : index
      %get3A_603 = tpu.vector_load %arg16[%get3A_601, %get3A_602] {strides = array<i32>} : memref<512x64xf32, #tpu.memory_space<vmem>>, vector<16xf32>,
      %get3A_604 = arith.index_cast %add3A_577 : i32 to index
      %get3A_605 = arith.constant 48 : index
      %get3A_606 = tpu.vector_load %arg17[%get3A_604, %get3A_605] {strides = array<i32>} : memref<512x64xf32, #tpu.memory_space<vmem>>, vector<16xf32>,
      %mul3A_607 = arith.mulf %get3A_603, %get3A_606 : vector<16xf32>
      %add3A_608 = arith.addf %add3A_600, %mul3A_607 : vector<16xf32>
      %eq3A_609 = arith.constant 12 : i32
      %eq3A_610 = vector.broadcast %eq3A_609 : i32 to vector<16xi32>
      %eq3A_611 = arith.cmpi eq, %iota3A, %eq3A_610 : vector<16xi32>
      %reduce_sum3A_612 = arith.constant true
      %reduce_sum3A_613 = vector.broadcast %reduce_sum3A_612 : i1 to vector<16xi1>
      %reduce_sum3A_614 = tpu.scan <sum>, %add3A_608 masked %reduce_sum3A_613 : vector<16xf32>, vector<16xi1> -> vector<16xf32>
      %reduce_sum3A_615 = vector.extract %reduce_sum3A_614[15] : f32 from vector<16xf32>
      %broadcast_in_dim3A_616 = vector.broadcast %reduce_sum3A_615 : f32 to vector<16xf32>
      %select_n3A_617 = arith.select %eq3A_611, %broadcast_in_dim3A_616, %select_n3A_573 : vector<16xi1>, vector<16xf32>
      %mul3A_618 = arith.constant 16 : i32
      %mul3A_619 = arith.muli %scan3A_46, %mul3A_618 : i32
      %add3A_620 = arith.constant 13 : i32
      %add3A_621 = arith.addi %mul3A_619, %add3A_620 : i32
      %get3A_622 = arith.index_cast %add3A_621 : i32 to index
      %get3A_623 = arith.constant 0 : index
      %get3A_624 = tpu.vector_load %arg16[%get3A_622, %get3A_623] {strides = array<i32>} : memref<512x64xf32, #tpu.memory_space<vmem>>, vector<16xf32>,
      %get3A_625 = arith.index_cast %add3A_621 : i32 to index
      %get3A_626 = arith.constant 0 : index
      %get3A_627 = tpu.vector_load %arg17[%get3A_625, %get3A_626] {strides = array<i32>} : memref<512x64xf32, #tpu.memory_space<vmem>>, vector<16xf32>,
      %mul3A_628 = arith.mulf %get3A_624, %get3A_627 : vector<16xf32>
      %get3A_629 = arith.index_cast %add3A_621 : i32 to index
      %get3A_630 = arith.constant 16 : index
      %get3A_631 = tpu.vector_load %arg16[%get3A_629, %get3A_630] {strides = array<i32>} : memref<512x64xf32, #tpu.memory_space<vmem>>, vector<16xf32>,
      %get3A_632 = arith.index_cast %add3A_621 : i32 to index
      %get3A_633 = arith.constant 16 : index
      %get3A_634 = tpu.vector_load %arg17[%get3A_632, %get3A_633] {strides = array<i32>} : memref<512x64xf32, #tpu.memory_space<vmem>>, vector<16xf32>,
      %mul3A_635 = arith.mulf %get3A_631, %get3A_634 : vector<16xf32>
      %add3A_636 = arith.addf %mul3A_628, %mul3A_635 : vector<16xf32>
      %get3A_637 = arith.index_cast %add3A_621 : i32 to index
      %get3A_638 = arith.constant 32 : index
      %get3A_639 = tpu.vector_load %arg16[%get3A_637, %get3A_638] {strides = array<i32>} : memref<512x64xf32, #tpu.memory_space<vmem>>, vector<16xf32>,
      %get3A_640 = arith.index_cast %add3A_621 : i32 to index
      %get3A_641 = arith.constant 32 : index
      %get3A_642 = tpu.vector_load %arg17[%get3A_640, %get3A_641] {strides = array<i32>} : memref<512x64xf32, #tpu.memory_space<vmem>>, vector<16xf32>,
      %mul3A_643 = arith.mulf %get3A_639, %get3A_642 : vector<16xf32>
      %add3A_644 = arith.addf %add3A_636, %mul3A_643 : vector<16xf32>
      %get3A_645 = arith.index_cast %add3A_621 : i32 to index
      %get3A_646 = arith.constant 48 : index
      %get3A_647 = tpu.vector_load %arg16[%get3A_645, %get3A_646] {strides = array<i32>} : memref<512x64xf32, #tpu.memory_space<vmem>>, vector<16xf32>,
      %get3A_648 = arith.index_cast %add3A_621 : i32 to index
      %get3A_649 = arith.constant 48 : index
      %get3A_650 = tpu.vector_load %arg17[%get3A_648, %get3A_649] {strides = array<i32>} : memref<512x64xf32, #tpu.memory_space<vmem>>, vector<16xf32>,
      %mul3A_651 = arith.mulf %get3A_647, %get3A_650 : vector<16xf32>
      %add3A_652 = arith.addf %add3A_644, %mul3A_651 : vector<16xf32>
      %eq3A_653 = arith.constant 13 : i32
      %eq3A_654 = vector.broadcast %eq3A_653 : i32 to vector<16xi32>
      %eq3A_655 = arith.cmpi eq, %iota3A, %eq3A_654 : vector<16xi32>
      %reduce_sum3A_656 = arith.constant true
      %reduce_sum3A_657 = vector.broadcast %reduce_sum3A_656 : i1 to vector<16xi1>
      %reduce_sum3A_658 = tpu.scan <sum>, %add3A_652 masked %reduce_sum3A_657 : vector<16xf32>, vector<16xi1> -> vector<16xf32>
      %reduce_sum3A_659 = vector.extract %reduce_sum3A_658[15] : f32 from vector<16xf32>
      %broadcast_in_dim3A_660 = vector.broadcast %reduce_sum3A_659 : f32 to vector<16xf32>
      %select_n3A_661 = arith.select %eq3A_655, %broadcast_in_dim3A_660, %select_n3A_617 : vector<16xi1>, vector<16xf32>
      %mul3A_662 = arith.constant 16 : i32
      %mul3A_663 = arith.muli %scan3A_46, %mul3A_662 : i32
      %add3A_664 = arith.constant 14 : i32
      %add3A_665 = arith.addi %mul3A_663, %add3A_664 : i32
      %get3A_666 = arith.index_cast %add3A_665 : i32 to index
      %get3A_667 = arith.constant 0 : index
      %get3A_668 = tpu.vector_load %arg16[%get3A_666, %get3A_667] {strides = array<i32>} : memref<512x64xf32, #tpu.memory_space<vmem>>, vector<16xf32>,
      %get3A_669 = arith.index_cast %add3A_665 : i32 to index
      %get3A_670 = arith.constant 0 : index
      %get3A_671 = tpu.vector_load %arg17[%get3A_669, %get3A_670] {strides = array<i32>} : memref<512x64xf32, #tpu.memory_space<vmem>>, vector<16xf32>,
      %mul3A_672 = arith.mulf %get3A_668, %get3A_671 : vector<16xf32>
      %get3A_673 = arith.index_cast %add3A_665 : i32 to index
      %get3A_674 = arith.constant 16 : index
      %get3A_675 = tpu.vector_load %arg16[%get3A_673, %get3A_674] {strides = array<i32>} : memref<512x64xf32, #tpu.memory_space<vmem>>, vector<16xf32>,
      %get3A_676 = arith.index_cast %add3A_665 : i32 to index
      %get3A_677 = arith.constant 16 : index
      %get3A_678 = tpu.vector_load %arg17[%get3A_676, %get3A_677] {strides = array<i32>} : memref<512x64xf32, #tpu.memory_space<vmem>>, vector<16xf32>,
      %mul3A_679 = arith.mulf %get3A_675, %get3A_678 : vector<16xf32>
      %add3A_680 = arith.addf %mul3A_672, %mul3A_679 : vector<16xf32>
      %get3A_681 = arith.index_cast %add3A_665 : i32 to index
      %get3A_682 = arith.constant 32 : index
      %get3A_683 = tpu.vector_load %arg16[%get3A_681, %get3A_682] {strides = array<i32>} : memref<512x64xf32, #tpu.memory_space<vmem>>, vector<16xf32>,
      %get3A_684 = arith.index_cast %add3A_665 : i32 to index
      %get3A_685 = arith.constant 32 : index
      %get3A_686 = tpu.vector_load %arg17[%get3A_684, %get3A_685] {strides = array<i32>} : memref<512x64xf32, #tpu.memory_space<vmem>>, vector<16xf32>,
      %mul3A_687 = arith.mulf %get3A_683, %get3A_686 : vector<16xf32>
      %add3A_688 = arith.addf %add3A_680, %mul3A_687 : vector<16xf32>
      %get3A_689 = arith.index_cast %add3A_665 : i32 to index
      %get3A_690 = arith.constant 48 : index
      %get3A_691 = tpu.vector_load %arg16[%get3A_689, %get3A_690] {strides = array<i32>} : memref<512x64xf32, #tpu.memory_space<vmem>>, vector<16xf32>,
      %get3A_692 = arith.index_cast %add3A_665 : i32 to index
      %get3A_693 = arith.constant 48 : index
      %get3A_694 = tpu.vector_load %arg17[%get3A_692, %get3A_693] {strides = array<i32>} : memref<512x64xf32, #tpu.memory_space<vmem>>, vector<16xf32>,
      %mul3A_695 = arith.mulf %get3A_691, %get3A_694 : vector<16xf32>
      %add3A_696 = arith.addf %add3A_688, %mul3A_695 : vector<16xf32>
      %eq3A_697 = arith.constant 14 : i32
      %eq3A_698 = vector.broadcast %eq3A_697 : i32 to vector<16xi32>
      %eq3A_699 = arith.cmpi eq, %iota3A, %eq3A_698 : vector<16xi32>
      %reduce_sum3A_700 = arith.constant true
      %reduce_sum3A_701 = vector.broadcast %reduce_sum3A_700 : i1 to vector<16xi1>
      %reduce_sum3A_702 = tpu.scan <sum>, %add3A_696 masked %reduce_sum3A_701 : vector<16xf32>, vector<16xi1> -> vector<16xf32>
      %reduce_sum3A_703 = vector.extract %reduce_sum3A_702[15] : f32 from vector<16xf32>
      %broadcast_in_dim3A_704 = vector.broadcast %reduce_sum3A_703 : f32 to vector<16xf32>
      %select_n3A_705 = arith.select %eq3A_699, %broadcast_in_dim3A_704, %select_n3A_661 : vector<16xi1>, vector<16xf32>
      %mul3A_706 = arith.constant 16 : i32
      %mul3A_707 = arith.muli %scan3A_46, %mul3A_706 : i32
      %add3A_708 = arith.constant 15 : i32
      %add3A_709 = arith.addi %mul3A_707, %add3A_708 : i32
      %get3A_710 = arith.index_cast %add3A_709 : i32 to index
      %get3A_711 = arith.constant 0 : index
      %get3A_712 = tpu.vector_load %arg16[%get3A_710, %get3A_711] {strides = array<i32>} : memref<512x64xf32, #tpu.memory_space<vmem>>, vector<16xf32>,
      %get3A_713 = arith.index_cast %add3A_709 : i32 to index
      %get3A_714 = arith.constant 0 : index
      %get3A_715 = tpu.vector_load %arg17[%get3A_713, %get3A_714] {strides = array<i32>} : memref<512x64xf32, #tpu.memory_space<vmem>>, vector<16xf32>,
      %mul3A_716 = arith.mulf %get3A_712, %get3A_715 : vector<16xf32>
      %get3A_717 = arith.index_cast %add3A_709 : i32 to index
      %get3A_718 = arith.constant 16 : index
      %get3A_719 = tpu.vector_load %arg16[%get3A_717, %get3A_718] {strides = array<i32>} : memref<512x64xf32, #tpu.memory_space<vmem>>, vector<16xf32>,
      %get3A_720 = arith.index_cast %add3A_709 : i32 to index
      %get3A_721 = arith.constant 16 : index
      %get3A_722 = tpu.vector_load %arg17[%get3A_720, %get3A_721] {strides = array<i32>} : memref<512x64xf32, #tpu.memory_space<vmem>>, vector<16xf32>,
      %mul3A_723 = arith.mulf %get3A_719, %get3A_722 : vector<16xf32>
      %add3A_724 = arith.addf %mul3A_716, %mul3A_723 : vector<16xf32>
      %get3A_725 = arith.index_cast %add3A_709 : i32 to index
      %get3A_726 = arith.constant 32 : index
      %get3A_727 = tpu.vector_load %arg16[%get3A_725, %get3A_726] {strides = array<i32>} : memref<512x64xf32, #tpu.memory_space<vmem>>, vector<16xf32>,
      %get3A_728 = arith.index_cast %add3A_709 : i32 to index
      %get3A_729 = arith.constant 32 : index
      %get3A_730 = tpu.vector_load %arg17[%get3A_728, %get3A_729] {strides = array<i32>} : memref<512x64xf32, #tpu.memory_space<vmem>>, vector<16xf32>,
      %mul3A_731 = arith.mulf %get3A_727, %get3A_730 : vector<16xf32>
      %add3A_732 = arith.addf %add3A_724, %mul3A_731 : vector<16xf32>
      %get3A_733 = arith.index_cast %add3A_709 : i32 to index
      %get3A_734 = arith.constant 48 : index
      %get3A_735 = tpu.vector_load %arg16[%get3A_733, %get3A_734] {strides = array<i32>} : memref<512x64xf32, #tpu.memory_space<vmem>>, vector<16xf32>,
      %get3A_736 = arith.index_cast %add3A_709 : i32 to index
      %get3A_737 = arith.constant 48 : index
      %get3A_738 = tpu.vector_load %arg17[%get3A_736, %get3A_737] {strides = array<i32>} : memref<512x64xf32, #tpu.memory_space<vmem>>, vector<16xf32>,
      %mul3A_739 = arith.mulf %get3A_735, %get3A_738 : vector<16xf32>
      %add3A_740 = arith.addf %add3A_732, %mul3A_739 : vector<16xf32>
      %eq3A_741 = arith.constant 15 : i32
      %eq3A_742 = vector.broadcast %eq3A_741 : i32 to vector<16xi32>
      %eq3A_743 = arith.cmpi eq, %iota3A, %eq3A_742 : vector<16xi32>
      %reduce_sum3A_744 = arith.constant true
      %reduce_sum3A_745 = vector.broadcast %reduce_sum3A_744 : i1 to vector<16xi1>
      %reduce_sum3A_746 = tpu.scan <sum>, %add3A_740 masked %reduce_sum3A_745 : vector<16xf32>, vector<16xi1> -> vector<16xf32>
      %reduce_sum3A_747 = vector.extract %reduce_sum3A_746[15] : f32 from vector<16xf32>
      %broadcast_in_dim3A_748 = vector.broadcast %reduce_sum3A_747 : f32 to vector<16xf32>
      %select_n3A_749 = arith.select %eq3A_743, %broadcast_in_dim3A_748, %select_n3A_705 : vector<16xi1>, vector<16xf32>
      %mul3A_750 = arith.constant 16 : i32
      %mul3A_751 = arith.muli %scan3A_46, %mul3A_750 : i32
      %swap3A = arith.index_cast %mul3A_751 : i32 to index
      %swap3A_752 = tpu.vector_load %arg20[%swap3A] {strides = array<i32>} : memref<512xf32, #tpu.memory_space<vmem>>, vector<16xf32>,
      tpu.vector_store %arg20[%swap3A], %select_n3A_749 {strides = array<i32>} : memref<512xf32, #tpu.memory_space<vmem>>, vector<16xf32>,
      %scan3A_753 = arith.constant 0 : i32
      scf.yield %scan3A_753 : i32
    }
    %scan3A_31 = arith.constant 32 : i32
    %dma_wait3A_32 = arith.constant 0 : i32
    %dma_wait3A_33 = arith.constant 0 : i32
    %dma_wait3A_34 = tpu.memref_slice %arg6[%dma_wait3A_32, %dma_wait3A_33] : memref<62500x16xf32, #tpu.memory_space<hbm>> -> memref<62500x16xf32, #tpu.memory_space<hbm>>
    tpu.wait_indirect_dma semaphore(%arg24 : memref<!tpu.dma_semaphore, #tpu.memory_space<semaphore_mem>>) src(%dma_wait3A_34 : memref<62500x16xf32, #tpu.memory_space<hbm>>) dst(%arg18 : memref<512x16xf32, #tpu.memory_space<vmem>>)
    %dma_wait3A_35 = arith.constant 0 : i32
    %dma_wait3A_36 = arith.constant 0 : i32
    %dma_wait3A_37 = tpu.memref_slice %arg7[%dma_wait3A_35, %dma_wait3A_36] : memref<62500x16xf32, #tpu.memory_space<hbm>> -> memref<62500x16xf32, #tpu.memory_space<hbm>>
    tpu.wait_indirect_dma semaphore(%arg25 : memref<!tpu.dma_semaphore, #tpu.memory_space<semaphore_mem>>) src(%dma_wait3A_37 : memref<62500x16xf32, #tpu.memory_space<hbm>>) dst(%arg19 : memref<512x16xf32, #tpu.memory_space<vmem>>)
    %get3A = arith.constant 0 : index
    %get3A_38 = tpu.vector_load %arg21[%get3A] {strides = array<i32>} : memref<16xf32, #tpu.memory_space<vmem>>, vector<16xf32>,
    %scan3A_39 = arith.constant 0 : i32
    %scan3A_40 = arith.constant 0 : i32
    %scan3A_41 = arith.constant 32 : i32
    %scan3A_42 = arith.addi %scan3A_40, %scan3A_41 : i32
    %scan3A_43 = arith.constant 4 : i32
    %scan3A_44 = scf.for %scan3A_46 = %scan3A_40 to %scan3A_42 step %scan3A_43 iter_args(%scan3A_47 = %scan3A_39) -> (i32)  : i32 {
      %mul3A_48 = arith.constant 16 : i32
      %mul3A_49 = arith.muli %scan3A_46, %mul3A_48 : i32
      %add3A_50 = vector.broadcast %mul3A_49 : i32 to vector<16xi32>
      %add3A_51 = arith.addi %add3A_50, %iota3A : vector<16xi32>
      %get3A_52 = arith.index_cast %mul3A_49 : i32 to index
      %get3A_53 = tpu.vector_load %arg14[%get3A_52] {strides = array<i32>} : memref<512xi32, #tpu.memory_space<vmem>>, vector<16xi32>,
      %gather3A = tpu.vector_load_idx %arg18[%add3A_51, %get3A_53] : memref<512x16xf32, #tpu.memory_space<vmem>>[vector<16xi32>, vector<16xi32>], vector<16xf32>,
      %get3A_54 = arith.index_cast %mul3A_49 : i32 to index
      %get3A_55 = tpu.vector_load %arg15[%get3A_54] {strides = array<i32>} : memref<512xi32, #tpu.memory_space<vmem>>, vector<16xi32>,
      %gather3A_56 = tpu.vector_load_idx %arg19[%add3A_51, %get3A_55] : memref<512x16xf32, #tpu.memory_space<vmem>>[vector<16xi32>, vector<16xi32>], vector<16xf32>,
      %get3A_57 = arith.index_cast %mul3A_49 : i32 to index
      %get3A_58 = tpu.vector_load %arg20[%get3A_57] {strides = array<i32>} : memref<512xf32, #tpu.memory_space<vmem>>, vector<16xf32>,
      %add3A_59 = arith.addf %get3A_58, %gather3A : vector<16xf32>
      %add3A_60 = arith.addf %add3A_59, %gather3A_56 : vector<16xf32>
      %add3A_61 = arith.addf %add3A_60, %get3A_38 : vector<16xf32>
      %swap3A = arith.index_cast %mul3A_49 : i32 to index
      %swap3A_62 = tpu.vector_load %arg20[%swap3A] {strides = array<i32>} : memref<512xf32, #tpu.memory_space<vmem>>, vector<16xf32>,
      tpu.vector_store %arg20[%swap3A], %add3A_61 {strides = array<i32>} : memref<512xf32, #tpu.memory_space<vmem>>, vector<16xf32>,
      %scan3A_63 = arith.constant 0 : i32
      %scan3A_64 = arith.constant 1 : i32
      %scan3A_65 = arith.addi %scan3A_46, %scan3A_64 : i32
      %mul3A_66 = arith.constant 16 : i32
      %mul3A_67 = arith.muli %scan3A_65, %mul3A_66 : i32
      %add3A_68 = vector.broadcast %mul3A_67 : i32 to vector<16xi32>
      %add3A_69 = arith.addi %add3A_68, %iota3A : vector<16xi32>
      %get3A_70 = arith.index_cast %mul3A_67 : i32 to index
      %get3A_71 = tpu.vector_load %arg14[%get3A_70] {strides = array<i32>} : memref<512xi32, #tpu.memory_space<vmem>>, vector<16xi32>,
      %gather3A_72 = tpu.vector_load_idx %arg18[%add3A_69, %get3A_71] : memref<512x16xf32, #tpu.memory_space<vmem>>[vector<16xi32>, vector<16xi32>], vector<16xf32>,
      %get3A_73 = arith.index_cast %mul3A_67 : i32 to index
      %get3A_74 = tpu.vector_load %arg15[%get3A_73] {strides = array<i32>} : memref<512xi32, #tpu.memory_space<vmem>>, vector<16xi32>,
      %gather3A_75 = tpu.vector_load_idx %arg19[%add3A_69, %get3A_74] : memref<512x16xf32, #tpu.memory_space<vmem>>[vector<16xi32>, vector<16xi32>], vector<16xf32>,
      %get3A_76 = arith.index_cast %mul3A_67 : i32 to index
      %get3A_77 = tpu.vector_load %arg20[%get3A_76] {strides = array<i32>} : memref<512xf32, #tpu.memory_space<vmem>>, vector<16xf32>,
      %add3A_78 = arith.addf %get3A_77, %gather3A_72 : vector<16xf32>
      %add3A_79 = arith.addf %add3A_78, %gather3A_75 : vector<16xf32>
      %add3A_80 = arith.addf %add3A_79, %get3A_38 : vector<16xf32>
      %swap3A_81 = arith.index_cast %mul3A_67 : i32 to index
      %swap3A_82 = tpu.vector_load %arg20[%swap3A_81] {strides = array<i32>} : memref<512xf32, #tpu.memory_space<vmem>>, vector<16xf32>,
      tpu.vector_store %arg20[%swap3A_81], %add3A_80 {strides = array<i32>} : memref<512xf32, #tpu.memory_space<vmem>>, vector<16xf32>,
      %scan3A_83 = arith.constant 0 : i32
      %scan3A_84 = arith.constant 2 : i32
      %scan3A_85 = arith.addi %scan3A_46, %scan3A_84 : i32
      %mul3A_86 = arith.constant 16 : i32
      %mul3A_87 = arith.muli %scan3A_85, %mul3A_86 : i32
      %add3A_88 = vector.broadcast %mul3A_87 : i32 to vector<16xi32>
      %add3A_89 = arith.addi %add3A_88, %iota3A : vector<16xi32>
      %get3A_90 = arith.index_cast %mul3A_87 : i32 to index
      %get3A_91 = tpu.vector_load %arg14[%get3A_90] {strides = array<i32>} : memref<512xi32, #tpu.memory_space<vmem>>, vector<16xi32>,
      %gather3A_92 = tpu.vector_load_idx %arg18[%add3A_89, %get3A_91] : memref<512x16xf32, #tpu.memory_space<vmem>>[vector<16xi32>, vector<16xi32>], vector<16xf32>,
      %get3A_93 = arith.index_cast %mul3A_87 : i32 to index
      %get3A_94 = tpu.vector_load %arg15[%get3A_93] {strides = array<i32>} : memref<512xi32, #tpu.memory_space<vmem>>, vector<16xi32>,
      %gather3A_95 = tpu.vector_load_idx %arg19[%add3A_89, %get3A_94] : memref<512x16xf32, #tpu.memory_space<vmem>>[vector<16xi32>, vector<16xi32>], vector<16xf32>,
      %get3A_96 = arith.index_cast %mul3A_87 : i32 to index
      %get3A_97 = tpu.vector_load %arg20[%get3A_96] {strides = array<i32>} : memref<512xf32, #tpu.memory_space<vmem>>, vector<16xf32>,
      %add3A_98 = arith.addf %get3A_97, %gather3A_92 : vector<16xf32>
      %add3A_99 = arith.addf %add3A_98, %gather3A_95 : vector<16xf32>
      %add3A_100 = arith.addf %add3A_99, %get3A_38 : vector<16xf32>
      %swap3A_101 = arith.index_cast %mul3A_87 : i32 to index
      %swap3A_102 = tpu.vector_load %arg20[%swap3A_101] {strides = array<i32>} : memref<512xf32, #tpu.memory_space<vmem>>, vector<16xf32>,
      tpu.vector_store %arg20[%swap3A_101], %add3A_100 {strides = array<i32>} : memref<512xf32, #tpu.memory_space<vmem>>, vector<16xf32>,
      %scan3A_103 = arith.constant 0 : i32
      %scan3A_104 = arith.constant 3 : i32
      %scan3A_105 = arith.addi %scan3A_46, %scan3A_104 : i32
      %mul3A_106 = arith.constant 16 : i32
      %mul3A_107 = arith.muli %scan3A_105, %mul3A_106 : i32
      %add3A_108 = vector.broadcast %mul3A_107 : i32 to vector<16xi32>
      %add3A_109 = arith.addi %add3A_108, %iota3A : vector<16xi32>
      %get3A_110 = arith.index_cast %mul3A_107 : i32 to index
      %get3A_111 = tpu.vector_load %arg14[%get3A_110] {strides = array<i32>} : memref<512xi32, #tpu.memory_space<vmem>>, vector<16xi32>,
      %gather3A_112 = tpu.vector_load_idx %arg18[%add3A_109, %get3A_111] : memref<512x16xf32, #tpu.memory_space<vmem>>[vector<16xi32>, vector<16xi32>], vector<16xf32>,
      %get3A_113 = arith.index_cast %mul3A_107 : i32 to index
      %get3A_114 = tpu.vector_load %arg15[%get3A_113] {strides = array<i32>} : memref<512xi32, #tpu.memory_space<vmem>>, vector<16xi32>,
      %gather3A_115 = tpu.vector_load_idx %arg19[%add3A_109, %get3A_114] : memref<512x16xf32, #tpu.memory_space<vmem>>[vector<16xi32>, vector<16xi32>], vector<16xf32>,
      %get3A_116 = arith.index_cast %mul3A_107 : i32 to index
      %get3A_117 = tpu.vector_load %arg20[%get3A_116] {strides = array<i32>} : memref<512xf32, #tpu.memory_space<vmem>>, vector<16xf32>,
      %add3A_118 = arith.addf %get3A_117, %gather3A_112 : vector<16xf32>
      %add3A_119 = arith.addf %add3A_118, %gather3A_115 : vector<16xf32>
      %add3A_120 = arith.addf %add3A_119, %get3A_38 : vector<16xf32>
      %swap3A_121 = arith.index_cast %mul3A_107 : i32 to index
      %swap3A_122 = tpu.vector_load %arg20[%swap3A_121] {strides = array<i32>} : memref<512xf32, #tpu.memory_space<vmem>>, vector<16xf32>,
      tpu.vector_store %arg20[%swap3A_121], %add3A_120 {strides = array<i32>} : memref<512xf32, #tpu.memory_space<vmem>>, vector<16xf32>,
      %scan3A_123 = arith.constant 0 : i32
      scf.yield %scan3A_123 : i32
    }
    %scan3A_45 = arith.constant 32 : i32
    "tpu.region"() ({
      %run_scoped3A = tpu.sem_alloc : memref<!tpu.dma_semaphore, #tpu.memory_space<semaphore_mem>>
      %dma_start3A_46 = tpu.memref_slice %arg9[%mul3A_2] : memref<16384xf32, #tpu.memory_space<hbm>> -> memref<512xf32, #tpu.memory_space<hbm>>
      %dma_start3A_47 = tpu.memref_slice %arg9[%mul3A_2] : memref<16384xf32, #tpu.memory_space<hbm>> -> memref<512xf32, #tpu.memory_space<hbm>>
      tpu.enqueue_dma source(%arg20 : memref<512xf32, #tpu.memory_space<vmem>>) target(%dma_start3A_47 : memref<512xf32, #tpu.memory_space<hbm>>) target_semaphore(%run_scoped3A : memref<!tpu.dma_semaphore, #tpu.memory_space<semaphore_mem>>)
      %dma_wait3A_48 = tpu.memref_slice %arg9[%mul3A_2] : memref<16384xf32, #tpu.memory_space<hbm>> -> memref<512xf32, #tpu.memory_space<hbm>>
      %dma_wait3A_49 = tpu.memref_slice %arg9[%mul3A_2] : memref<16384xf32, #tpu.memory_space<hbm>> -> memref<512xf32, #tpu.memory_space<hbm>>
      tpu.wait_dma2 semaphore(%run_scoped3A : memref<!tpu.dma_semaphore, #tpu.memory_space<semaphore_mem>>) src(%arg20 : memref<512xf32, #tpu.memory_space<vmem>>) dst(%dma_wait3A_49 : memref<512xf32, #tpu.memory_space<hbm>>)
      tpu.yield
    }) : () -> ()
    return
  }
}

</mosaic_0001>

<sc_bundles>
// kernel: kernel.3.cloned.1.call-start
scs
__scs_entry_jumppad:
0x0: {  	(pc) =	sbr.rel $0x88, $3  }
0x1: {  	(tag) =	ssettag $0x0;
	lr =	simm.s32 $0x1  }
0x2: {  	[smem:$0x3F9A] =	sst lr;
	_ =	strace $0xD0000000  }
0x3: {  	_ = 	snop  }
0x4: {  	_ = 	snop  }
0x5: {  	_ = 	snop  }
0x6: {  	_ = 	snop  }
0x7: {  	_ = 	snop  }
__scs_overlays_trampoline_lowered:
0x8: {  	[smem:$0x3FA9] =	sst s0  }
0x9: {  	[smem:$0x3FAA] =	sst s1  }
0xa: {  	[smem:$0x3FAB] =	sst s2  }
0xb: {  	[smem:$0x3FAC] =	sst s3  }
0xc: {  	[smem:$0x3FAD] =	sst s4  }
0xd: {  	[smem:$0x3FAE] =	sst s5  }
0xe: {  	[smem:$0x3FAF] =	sst s6  }
0xf: {  	[smem:$0x3FB0] =	sst s7  }
0x10: {  	[smem:$0x3FB1] =	sst s8  }
0x11: {  	[smem:$0x3FB2] =	sst s9;
	s0 =	simm.s32 @!p0 $0x0  }
0x12: {  	s1 =	sld [smem:$0x3F98];
	s0 =	simm.s32 @p0 $0x1  }
0x13: {  	[smem:$0x3FB3] =	sst s0;
	s0 =	simm.s32 @!p1 $0x0  }
0x14: {  	s2 =	sld [smem:$0x3F97];
	s0 =	simm.s32 @p1 $0x1  }
0x15: {  	[smem:$0x3FB4] =	sst s0;
	s0 =	simm.s32 @!p2 $0x0  }
0x16: {  	s3 =	sld [smem:$0x3FDB];
	s0 =	simm.s32 @p2 $0x1  }
0x17: {  	s4 =	simm.s32 $0x1BF5;
	[smem:$0x3FB6] =	sst s0  }
0x18: {  	s0 =	sld [smem:$0x3F99];
	_ =	swait.ge [sflag:s4], $0x0  }
0x19: {  	s7 =	sld [smem:$0x3F9A]  }
0x1a: {  	s8 =	sadd.s32 $0xFFFFE003, lr  }
0x1b: {  	s9 =	sadd.s32 $0xFFFFFEF7, lr;
	s5 =	simm.s32 $0xFFFFFFFF;
	p2 =	slt.u32 s8, $0xFFFFF086  }
0x1c: {  	p1 =	slt.u32 s9, $0xF7A;
	s5 =	simm.s32 @!p2 $0x0  }
0x1d: {  	s5 =	simm.s32 @p1 $0x1;
	p0 =	seq.s32 s7, s2  }
0x1e: {  	s7 =	smul.u32 @!p0 $0xF7A, s2;
	p2 =	seq.s32 @!p0 s5, $0x0  }
0x1f: {  	s9 =	smul.u32 $0xF7A, s1;
	s8 =	simm.s32 @!p0 $0x1BF5;
	p2 =	por !p2, p0  }
0x20: {  	[sflag:s8] =	ssyncset.s32 @!p0 $0xFFFFF086;
	s6 =	sadd.s32 @!p0 s3, s7;
	s7 =	simm.s32 @!p0 $0x108  }
0x21: {  	s3 =	sadd.s32 s3, s9;
	s6 =	sadd.s32 @!p0 $0x88, s6;
	s7 =	simm.s32 @p2 $0x1082  }
0x22: {  	[simem:s7], [sflag:s8] =	dma.local @!p0 [hbm:s6], $0xF7A  }
0x23: {  	s9 =	sor.u32 $0xD0000000, s2;
	s6 =	simm.s32 $0x108;
	_ =	swait.ge @!p0 [sflag:s8], $0x0  }
0x24: {  	s3 =	sadd.s32 $0x88, s3;
	s6 =	simm.s32 @!p1 $0x1082;
	[sflag:s4] =	ssyncset.s32 $0xFFFFF086  }
0x25: {  	[simem:s6], [sflag:s4] =	dma.local [hbm:s3], $0xF7A  }
0x26: {  	[smem:$0x3F9A] =	sst s1;
	(tag) =	ssettag s2;
	_ =	strace s9  }
0x27: {  	s1 =	sld [smem:$0x3FAA]  }
0x28: {  	s2 =	sld [smem:$0x3FAB]  }
0x29: {  	s4 =	sld [smem:$0x3FAD]  }
0x2a: {  	p0 =	seq.s32 s5, $0x0;
	s5 =	sld [smem:$0x3FAE]  }
0x2b: {  	s6 =	sld [smem:$0x3FAF]  }
0x2c: {  	s7 =	sld [smem:$0x3FB0]  }
0x2d: {  	s3 =	simm.s32 $0x108;
	s8 =	sld [smem:$0x3FB1]  }
0x2e: {  	s3 =	simm.s32 @!p0 $0x1082;
	s9 =	sld [smem:$0x3FB2]  }
0x2f: {  	lr =	sadd.s32 s0, s3;
	s0 =	sld [smem:$0x3FA9]  }
0x30: {  	s3 =	sld [smem:$0x3FAC]  }
0x31: {  	[smem:$0x3FB5] =	sst s10  }
0x32: {  	s10 =	sld [smem:$0x3FB3];
	_ =	sdelay $0x3  }
0x33: {  	p0 =	seq.s32 s10, $0x1;
	s10 =	sld [smem:$0x3FB5];
	_ =	sdelay $0x3  }
0x34: {  	[smem:$0x3FB5] =	sst s10  }
0x35: {  	s10 =	sld [smem:$0x3FB4];
	_ =	sdelay $0x3  }
0x36: {  	p1 =	seq.s32 s10, $0x1;
	s10 =	sld [smem:$0x3FB5];
	_ =	sdelay $0x3  }
0x37: {  	[smem:$0x3FB5] =	sst s10  }
0x38: {  	s10 =	sld [smem:$0x3FB6]  }
0x39: {  	_ = 	snop;
	(pc) =	sbr.ind lr, $3  }
0x3a: {  	_ = 	snop  }
0x3b: {  	_ = 	snop  }
0x3c: {  	p2 =	seq.s32 s10, $0x1;
	s10 =	sld [smem:$0x3FB5]  }
0x3d: {  	_ =	shalt  }
0x3e: {  	_ =	shalt  }
0x3f: {  	_ =	shalt  }
0x40: {  	_ =	shalt  }
0x41: {  	_ =	shalt  }
0x42: {  	_ =	shalt  }
0x43: {  	_ =	shalt  }
0x44: {  	_ =	shalt  }
0x45: {  	_ =	shalt  }
0x46: {  	_ =	shalt  }
0x47: {  	_ =	shalt  }
0x48: {  	_ =	shalt  }
0x49: {  	_ =	shalt  }
0x4a: {  	_ =	shalt  }
0x4b: {  	_ =	shalt  }
0x4c: {  	_ =	shalt  }
0x4d: {  	_ =	shalt  }
0x4e: {  	_ =	shalt  }
0x4f: {  	_ =	shalt  }
0x50: {  	_ =	shalt  }
0x51: {  	_ =	shalt  }
0x52: {  	_ =	shalt  }
0x53: {  	_ =	shalt  }
0x54: {  	_ =	shalt  }
0x55: {  	_ =	shalt  }
0x56: {  	_ =	shalt  }
0x57: {  	_ =	shalt  }
0x58: {  	_ =	shalt  }
0x59: {  	_ =	shalt  }
0x5a: {  	_ =	shalt  }
0x5b: {  	_ =	shalt  }
0x5c: {  	_ =	shalt  }
0x5d: {  	_ =	shalt  }
0x5e: {  	_ =	shalt  }
0x5f: {  	_ =	shalt  }
0x60: {  	_ =	shalt  }
0x61: {  	_ =	shalt  }
0x62: {  	_ =	shalt  }
0x63: {  	_ =	shalt  }
0x64: {  	_ =	shalt  }
0x65: {  	_ =	shalt  }
0x66: {  	_ =	shalt  }
0x67: {  	_ =	shalt  }
0x68: {  	_ =	shalt  }
0x69: {  	_ =	shalt  }
0x6a: {  	_ =	shalt  }
0x6b: {  	_ =	shalt  }
0x6c: {  	_ =	shalt  }
0x6d: {  	_ =	shalt  }
0x6e: {  	_ =	shalt  }
0x6f: {  	_ =	shalt  }
0x70: {  	_ =	shalt  }
0x71: {  	_ =	shalt  }
0x72: {  	_ =	shalt  }
0x73: {  	_ =	shalt  }
0x74: {  	_ =	shalt  }
0x75: {  	_ =	shalt  }
0x76: {  	_ =	shalt  }
0x77: {  	_ =	shalt  }
0x78: {  	_ =	shalt  }
0x79: {  	_ =	shalt  }
0x7a: {  	_ =	shalt  }
0x7b: {  	_ =	shalt  }
0x7c: {  	_ =	shalt  }
0x7d: {  	_ =	shalt  }
0x7e: {  	_ =	shalt  }
0x7f: {  	_ =	shalt  }
0x80: {  	_ =	shalt  }
0x81: {  	_ =	shalt  }
0x82: {  	_ =	shalt  }
0x83: {  	_ =	shalt  }
0x84: {  	_ =	shalt  }
0x85: {  	_ =	shalt  }
0x86: {  	_ =	shalt  }
0x87: {  	_ =	shalt  }
.Lfunc_end0:
.L_simem_size_0:
called_computation_lowered:
.L_overlay_start_0:
0x88: {  	s2 =	sld [smem:$0x3FD9]  }
0x89: {  	s3 =	sld [smem:$0x3FFE];
	_ =	sdelay $0x1  }
0x8a: {  	s1 =	srdreg.scid  }
0x8b: {  	s0 =	sand.u32 $0x1, s1  }
0x8c: {  	s17 =	sshll.u32 s0, $0xA;
	s2 =	sadd.s32 s3, s2  }
0x8d: {  	s2 =	sadd.s32 s2, s17  }
0x8e: {  	[smem:$0x3FC1] =	sst s2  }
0x8f: {  	_ = 	snop  }
0x90: {  	s2 =	sld [smem:$0x3FC9]  }
0x91: {  	s18 =	sld [smem:$0x3FC8]  }
0x92: {  	s4 =	sld [smem:$0x3FD0];
	(tm) =	ssettm $0x1  }
0x93: {  	s5 =	sld [smem:$0x3FFB];
	_ =	sdelay $0x3  }
0x94: {  	_ =	strace s5  }
0x95: {  	s5 =	sld [smem:$0x3FFC];
	_ =	sdelay $0x3  }
0x96: {  	_ =	strace s5  }
0x97: {  	s5 =	sld [smem:$0x3FFD];
	_ =	sdelay $0x3  }
0x98: {  	_ =	strace s5  }
0x99: {  	_ =	strace $0x8FFFFFFF  }
0x9a: {  	s19 =	sld [smem:$0x3FDB];
	_ =	sdelay $0x1  }
0x9b: {  	s6 =	simm.s32 $_scs_section_size  }
0x9c: {  	s7 =	simm.s32 $_size__tile_overlayer_lowered;
	s8 =	simm.s32 $_tile_overlayer_lowered  }
0x9d: {  	s22 =	simm.s32 $0x1BFF;
	s21 =	sshll.u32 s8, $0x1;
	s5 =	sadd.s32 s6, s19  }
0x9e: {  	s9 =	simm.s32 $0x0;
	s20 =	sshll.u32 s7, $0x1;
	s7 =	sadd.s32 s21, s5  }
0x9f: {  	[timem:s9], [sflag:s22] =	dma.local [hbm:s7], s20  }
0xa0: {  	_ =	swait.ge [sflag:s22], s20  }
0xa1: {  	s6 =	ssub.s32 $0x0, s20;
	[sflag:s22] =	ssyncset.done $0x0  }
0xa2: {  	[sflag:s22] =	ssyncadd.s32 s6;
	_ =	sdelay $0x1  }
0xa3: {  	s23 =	simm.s32 $0x1B8B  }
0xa4: {  	_ =	swait.ge [sflag:s23], $0x1  }
0xa5: {  	[sflag:s23] =	ssyncset.done $0x0  }
0xa6: {  	s25 =	simm.s32 $0x1B8E;
	s24 =	sld [smem:$0x3FFE];
	[sflag:s23] =	ssyncadd.s32 $0xFFFFFFFF  }
0xa7: {  	s26 =	simm.s32 $execute0_lowered;
	[smem:$0x3FD2] =	sst s25  }
0xa8: {  	s7 =	sshll.u32 s26, $0x1;
	_ =	strace $0x80000046;
	[dreg:$0x1] =	wrdreg $0xFFFFFFFF  }
0xa9: {  	s28 =	simm.s32 $_size_execute0_lowered;
	s5 =	sadd.s32 s5, s7;
	[dreg:$0x0] =	wrdreg $0x0  }
0xaa: {  	s7 =	sshll.u32 s28, $0x1;
	[dreg:$0x2] =	wrdreg s5  }
0xab: {  	[dreg:$0x3] =	wrdreg s7  }
0xac: {  	[dreg:$0x4] =	wrdreg $0xC0  }
0xad: {  	_ =	task [dreg:s9], $0x5FFFF  }
0xae: {  	[dreg:$0x1] =	wrdreg $0xFFFFFFFF  }
0xaf: {  	[dreg:$0x0] =	wrdreg $0x60  }
0xb0: {  	[dreg:$0x2] =	wrdreg s2  }
0xb1: {  	[dreg:$0x3] =	wrdreg s18  }
0xb2: {  	[dreg:$0x4] =	wrdreg s24  }
0xb3: {  	[dreg:$0x5] =	wrdreg s4  }
0xb4: {  	[dreg:$0x6] =	wrdreg $0x9  }
0xb5: {  	_ =	task.clear_ibuf [dreg:s9], $0x7FFFF;
	_ =	strace $0x90000046  }
0xb6: {  	s29 =	simm.s32 $0x9;
	_ =	strace $0x80000048  }
0xb7: {  	_ =	swait.ge [sflag:s29], $0x1  }
0xb8: {  	[sflag:s29] =	ssyncadd.s32 $0xFFFFFFFF  }
0xb9: {  	_ =	strace $0x90000048  }
0xba: {  	_ =	sfence  }
0xbb: {  	s30 =	sld [smem:$0x0];
	_ =	sdelay $0x2  }
0xbc: {  	s31 =	sshll.u32 s1, $0xD;
	s1 =	sshrl.u32 s1, $0x2  }
0xbd: {  	s3 =	sand.u32 $0x4000, s31;
	s1 =	sadd.s32 s1, s30  }
0xbe: {  	s0 =	sor.u32 s3, s0;
	s1 =	sshll.u32 s1, $0x11  }
0xbf: {  	s0 =	sor.u32 s1, s0  }
0xc0: {  	s0 =	sadd.s32 $0x8F2B, s0  }
0xc1: {  	[sflag:s0] =	ssyncadd.remote.s32 $0x1  }
0xc2: {  	_ =	sfence.sel $0xFFFF  }
0xc3: {  	[dreg:$0x0] =	wrdreg $0xFFFFFFFF;
	(pc) =	sbr.abs _section_cstart, $3  }
0xc4: {  	[dreg:$0x1] =	wrdreg $0xFFFFFFFF  }
0xc5: {  	_ =	task.clear_ibuf [dreg:s9], $0x2FFFF;
	_ =	strace $0x9FFFFFFF  }
0xc6: {  	(tm) =	ssettm $0x7FFFFFFF  }
0xc7: {  	_ =	shalt  }
tec
execute0_lowered:
.L_overlay_start_1:
0x0: {  	(tag) =	ssettag $0x1  }
0x1: {  	s0 =	rddreg [dreg:$0x0]  }
0x2: {  	s3 =	rddreg [dreg:$0x1]  }
0x3: {  	s1 =	rddreg [dreg:$0x2]  }
0x4: {  	s10 =	rddreg [dreg:$0x3]  }
0x5: {  	s2 =	simm.s32 $0x0;
	s6 =	srdreg.scid;
	s7 =	stileid.u32  }
0x6: {  	s13 =	simm.s32 $0x200;
	s16 =	simm.s32 $0x400;
	s17 =	simm.s32 $0x10C00  }
0x7: {  	s18 =	simm.s32 $0x600;
	s19 =	simm.s32 $0x12C00;
	s20 =	simm.s32 $0x14E00  }
0x8: {  	s21 =	simm.s32 $0x1;
	s22 =	simm.s32 $0x2;
	s23 =	simm.s32 $0x3  }
0x9: {  	s24 =	simm.s32 $0x4;
	s25 =	simm.s32 $0x14C00;
	[smem:$0x7FF] =	sst s2  }
0xa: {  	vm0 =	vmmov $0x1;
	vm1 =	vmmov $0x3;
	s26 =	simm.s32 $0x0;
	s4 =	sadd.s32 $0x16E3600, s1;
	s5 =	sadd.s32 $0xF42400, s1  }
0xb: {  	vm2 =	vmmov $0x7;
	vm3 =	vmmov $0xf;
	vm4 =	vmmov $0x1f;
	s6 =	sand.u32 $0x1, s6;
	s7 =	sshll.u32 s7, $0x7;
	_ =	strace $0x80000047  }
0xc: {  	vm5 =	vmmov $0x3f;
	vm6 =	vmmov $0x7f;
	v0 =	vlaneseq.u32;
	s8 =	ssub.s32 $0x2, s6;
	s9 =	sshll.u32 s6, $0x6;
	s6 =	sadd.s32 $0x1EA00, s1  }
0xd: {  	vm7 =	vmmov $0xff;
	vm8 =	vmmov $0x1ff;
	v5 =	vmul.u32 $0x10, v0;
	s11 =	sshrl.u32 s8, $0x1;
	s12 =	sor.u32 s9, s7;
	s7 =	sadd.s32 $0x3D400, s1  }
0xe: {  	vm9 =	vmmov $0x3ff;
	vm10 =	vmmov $0x7ff;
	vm11 =	vmmov $0xfff;
	s11 =	ssub.s32 s8, s11;
	s8 =	sadd.s32 s0, s12;
	s9 =	sadd.s32 s3, s12  }
0xf: {  	vm12 =	vmmov $0x1fff;
	vm13 =	vmmov $0x3fff;
	vm14 =	vmmov $0x7fff;
	[tilespmem:$0x1FFF0] =	vst v5;
	s10 =	sadd.s32 s10, s12;
	s12 =	simm.s32 $0x5;
	s11 =	smax.u32 s11, $0x1  }
.LBB2_1:
0x10: {  	[tilespmem:s2], [sflag:$0x5] =	stream.linear.gather [hbm4b:s8+s2], $0x200, $0x38;
	[tilespmem:$0x14E10] =	vst v63  }
0x11: {  	_ =	swait.ge [sflag:s12], $0x200  }
0x12: {  	[sflag:s12] =	ssyncset.done $0x0  }
0x13: {  	[sflag:s12] =	ssyncadd.s32 $0xFFFFFE00  }
0x14: {  	[tilespmem:s13], [sflag:$0x5] =	stream.linear.gather [hbm4b:s9+s2], $0x200, $0x38;
	[tilespmem:$0x14E10] =	vst v63  }
0x15: {  	_ =	swait.ge [sflag:s12], $0x200  }
0x16: {  	[sflag:s12] =	ssyncset.done $0x0  }
0x17: {  	s0 =	simm.s32 $0xC00;
	[sflag:s12] =	ssyncadd.s32 $0xFFFFFE00  }
0x18: {  	[tilespmem:s0], [sflag:$0x1] =	stream.indirect.gather [hbm4b:s4+s13], $0x40, s2, s13, $0xb8;
	[tilespmem:$0x14E10] =	vst v63  }
0x19: {  	s14 =	simm.s32 $0x8C00;
	s28 =	simm.s32 $0x20  }
0x1a: {  	[tilespmem:s14], [sflag:$0x2] =	stream.indirect.gather [hbm4b:s5+s13], $0x40, s13, s13, $0xb8;
	[tilespmem:$0x14E10] =	vst v63  }
0x1b: {  	s29 =	simm.s32 $0x220;
	v1 =	vld [tilespmem:s28+$0xFFFFFFE0]  }
0x1c: {  	v2 =	vld [tilespmem:s29+$0xFFFFFFE0];
	_ =	sdelay $0x3  }
0x1d: {  	s15 =	simm.s32 $0x420;
	v3 =	vshrl.u32 v1, $0x4  }
0x1e: {  	s3 =	simm.s32 $0x620;
	[tilespmem:s15+$0xFFFFFFE0] =	vst v3;
	v3 =	vshrl.u32 v2, $0x4  }
0x1f: {  	s14 =	simm.s32 $0x820;
	v1 =	vand.u32 $0xF, v1;
	[tilespmem:s3+$0xFFFFFFE0] =	vst v3  }
0x20: {  	s30 =	simm.s32 $0xA20;
	[tilespmem:s14+$0xFFFFFFE0] =	vst v1;
	v1 =	vand.u32 $0xF, v2  }
0x21: {  	[tilespmem:s30+$0xFFFFFFE0] =	vst v1  }
0x22: {  	v1 =	vld [tilespmem:s28+$0xFFFFFFF0]  }
0x23: {  	v2 =	vld [tilespmem:s29+$0xFFFFFFF0];
	_ =	sdelay $0x3  }
0x24: {  	v3 =	vshrl.u32 v1, $0x4  }
0x25: {  	[tilespmem:s15+$0xFFFFFFF0] =	vst v3;
	v3 =	vshrl.u32 v2, $0x4  }
0x26: {  	v1 =	vand.u32 $0xF, v1;
	[tilespmem:s3+$0xFFFFFFF0] =	vst v3  }
0x27: {  	[tilespmem:s14+$0xFFFFFFF0] =	vst v1;
	v1 =	vand.u32 $0xF, v2  }
0x28: {  	[tilespmem:s30+$0xFFFFFFF0] =	vst v1  }
0x29: {  	v1 =	vld [tilespmem:s28+$0x0]  }
0x2a: {  	v2 =	vld [tilespmem:s29+$0x0];
	_ =	sdelay $0x3  }
0x2b: {  	v3 =	vshrl.u32 v1, $0x4  }
0x2c: {  	[tilespmem:s15+$0x0] =	vst v3;
	v3 =	vshrl.u32 v2, $0x4  }
0x2d: {  	v1 =	vand.u32 $0xF, v1;
	[tilespmem:s3+$0x0] =	vst v3  }
0x2e: {  	[tilespmem:s14+$0x0] =	vst v1;
	v1 =	vand.u32 $0xF, v2  }
0x2f: {  	[tilespmem:s30+$0x0] =	vst v1  }
0x30: {  	v1 =	vld [tilespmem:s28+$0x10]  }
0x31: {  	v2 =	vld [tilespmem:s29+$0x10];
	_ =	sdelay $0x3  }
0x32: {  	v3 =	vshrl.u32 v1, $0x4  }
0x33: {  	[tilespmem:s15+$0x10] =	vst v3;
	v3 =	vshrl.u32 v2, $0x4  }
0x34: {  	s31 =	simm.s32 $0x0;
	s0 =	simm.s32 $0xA60;
	v1 =	vand.u32 $0xF, v1;
	[tilespmem:s3+$0x10] =	vst v3  }
0x35: {  	s15 =	simm.s32 $0x860;
	s3 =	simm.s32 $0x460;
	[tilespmem:s14+$0x10] =	vst v1;
	v1 =	vand.u32 $0xF, v2;
	s14 =	simm.s32 $0x660  }
.LBB2_2:
0x36: {  	s31 =	sadd.s32 $0x4, s31;
	[tilespmem:s30+$0x10] =	vst v1;
	s28 =	sadd.s32 $0x40, s28;
	s29 =	sadd.s32 $0x40, s29  }
0x37: {  	s30 =	smov.u32 s0;
	v1 =	vld [tilespmem:s28+$0xFFFFFFE0];
	p0 =	slt.u32 s31, $0x1C  }
0x38: {  	v2 =	vld [tilespmem:s29+$0xFFFFFFE0];
	_ =	sdelay $0x3  }
0x39: {  	v3 =	vshrl.u32 v1, $0x4  }
0x3a: {  	[tilespmem:s3+$0xFFFFFFE0] =	vst v3;
	v3 =	vshrl.u32 v2, $0x4  }
0x3b: {  	v1 =	vand.u32 $0xF, v1;
	[tilespmem:s14+$0xFFFFFFE0] =	vst v3  }
0x3c: {  	[tilespmem:s15+$0xFFFFFFE0] =	vst v1;
	v1 =	vand.u32 $0xF, v2  }
0x3d: {  	[tilespmem:s0+$0xFFFFFFE0] =	vst v1  }
0x3e: {  	v1 =	vld [tilespmem:s28+$0xFFFFFFF0]  }
0x3f: {  	v2 =	vld [tilespmem:s29+$0xFFFFFFF0];
	_ =	sdelay $0x3  }
0x40: {  	v3 =	vshrl.u32 v1, $0x4  }
0x41: {  	[tilespmem:s3+$0xFFFFFFF0] =	vst v3;
	v3 =	vshrl.u32 v2, $0x4  }
0x42: {  	v1 =	vand.u32 $0xF, v1;
	[tilespmem:s14+$0xFFFFFFF0] =	vst v3  }
0x43: {  	[tilespmem:s15+$0xFFFFFFF0] =	vst v1;
	v1 =	vand.u32 $0xF, v2  }
0x44: {  	[tilespmem:s0+$0xFFFFFFF0] =	vst v1  }
0x45: {  	v1 =	vld [tilespmem:s28+$0x0]  }
0x46: {  	v2 =	vld [tilespmem:s29+$0x0];
	_ =	sdelay $0x3  }
0x47: {  	v3 =	vshrl.u32 v1, $0x4  }
0x48: {  	[tilespmem:s3+$0x0] =	vst v3;
	v3 =	vshrl.u32 v2, $0x4  }
0x49: {  	v1 =	vand.u32 $0xF, v1;
	[tilespmem:s14+$0x0] =	vst v3  }
0x4a: {  	[tilespmem:s15+$0x0] =	vst v1;
	v1 =	vand.u32 $0xF, v2  }
0x4b: {  	[tilespmem:s0+$0x0] =	vst v1  }
0x4c: {  	v1 =	vld [tilespmem:s28+$0x10]  }
0x4d: {  	v2 =	vld [tilespmem:s29+$0x10];
	_ =	sdelay $0x2  }
.Ltmp0:
0x4e: {  	(pc) =	sbr.rel @p0 .LBB2_2-.Ltmp0, $4  }
0x4f: {  	v3 =	vshrl.u32 v1, $0x4  }
0x50: {  	[tilespmem:s3+$0x10] =	vst v3;
	v3 =	vshrl.u32 v2, $0x4  }
0x51: {  	s0 =	sadd.s32 $0x40, s0;
	v1 =	vand.u32 $0xF, v1;
	[tilespmem:s14+$0x10] =	vst v3  }
0x52: {  	s3 =	sadd.s32 $0x40, s3;
	s14 =	sadd.s32 $0x40, s14;
	[tilespmem:s15+$0x10] =	vst v1;
	v1 =	vand.u32 $0xF, v2;
	s15 =	sadd.s32 $0x40, s15  }
0x53: {  	[tilespmem:s30+$0x10] =	vst v1  }
0x54: {  	[tilespmem:s17], [sflag:$0x3] =	stream.indirect.gather [hbm4b:s6+s13], $0x10, s16, s13, $0xb8;
	[tilespmem:$0x14E10] =	vst v63  }
0x55: {  	_ = 	snop  }
0x56: {  	[tilespmem:s19], [sflag:$0x4] =	stream.indirect.gather [hbm4b:s1+s13], $0x10, s18, s13, $0xb8;
	[tilespmem:$0x14E10] =	vst v63  }
0x57: {  	s0 =	simm.s32 $0x0  }
0x58: {  	[tilespmem:s20], [sflag:$0x5] =	stream.linear.gather [hbm4b:s7+s0], $0x10, $0x38;
	[tilespmem:$0x14E10] =	vst v63  }
0x59: {  	_ =	swait.ge [sflag:s12], $0x10  }
0x5a: {  	[sflag:s12] =	ssyncset.done $0x0  }
0x5b: {  	[sflag:s12] =	ssyncadd.s32 $0xFFFFFFF0  }
0x5c: {  	_ =	swait.ge [sflag:s21], $0x8000  }
0x5d: {  	[sflag:s21] =	ssyncset.done $0x0  }
0x5e: {  	[sflag:s21] =	ssyncadd.s32 $0xFFFF8000  }
0x5f: {  	_ =	swait.ge [sflag:s22], $0x8000  }
0x60: {  	[sflag:s22] =	ssyncset.done $0x0  }
0x61: {  	s28 =	simm.s32 $0x0;
	[sflag:s22] =	ssyncadd.s32 $0xFFFF8000  }
0x62: {  	v21 =	vld [tilespmem:s28+$0xFB0]  }
0x63: {  	v22 =	vld [tilespmem:s28+$0x8FB0]  }
0x64: {  	v0 =	vld [tilespmem:s28+$0xFC0]  }
0x65: {  	v1 =	vld [tilespmem:s28+$0x8FD0]  }
0x66: {  	v23 =	vld [tilespmem:s28+$0xFA0]  }
0x67: {  	v24 =	vld [tilespmem:s28+$0x8FA0]  }
0x68: {  	v25 =	vld [tilespmem:s28+$0xF30]  }
0x69: {  	v26 =	vld [tilespmem:s28+$0x8F30]  }
0x6a: {  	v27 =	vld [tilespmem:s28+$0xF80]  }
0x6b: {  	v28 =	vld [tilespmem:s28+$0x8F80]  }
0x6c: {  	v29 =	vld [tilespmem:s28+$0xF90]  }
0x6d: {  	v30 =	vld [tilespmem:s28+$0x8F90]  }
0x6e: {  	v33 =	vld [tilespmem:s28+$0xF20]  }
0x6f: {  	v34 =	vld [tilespmem:s28+$0x8F20]  }
0x70: {  	v35 =	vld [tilespmem:s28+$0xEE0]  }
0x71: {  	v36 =	vld [tilespmem:s28+$0x8EE0]  }
0x72: {  	v37 =	vld [tilespmem:s28+$0xF00]  }
0x73: {  	v38 =	vld [tilespmem:s28+$0x8F00]  }
0x74: {  	v39 =	vld [tilespmem:s28+$0xF10]  }
0x75: {  	v40 =	vld [tilespmem:s28+$0x8F10]  }
0x76: {  	v41 =	vld [tilespmem:s28+$0xE70]  }
0x77: {  	v42 =	vld [tilespmem:s28+$0x8E70]  }
0x78: {  	v43 =	vld [tilespmem:s28+$0xEC0]  }
0x79: {  	v44 =	vld [tilespmem:s28+$0x8EC0]  }
0x7a: {  	v45 =	vld [tilespmem:s28+$0xED0]  }
0x7b: {  	v46 =	vld [tilespmem:s28+$0x8ED0]  }
0x7c: {  	v47 =	vld [tilespmem:s28+$0xE30]  }
0x7d: {  	[tilespmem:$0x1FE80] =	vst v1;
	v1 =	vld [tilespmem:s28+$0xF60]  }
0x7e: {  	v48 =	vld [tilespmem:s28+$0x8E30]  }
0x7f: {  	v49 =	vld [tilespmem:s28+$0xE60]  }
0x80: {  	v50 =	vld [tilespmem:s28+$0x8E60]  }
0x81: {  	v51 =	vld [tilespmem:s28+$0xE20]  }
0x82: {  	[tilespmem:$0x1FE50] =	vst v1;
	v1 =	vld [tilespmem:s28+$0xEF0]  }
0x83: {  	v52 =	vld [tilespmem:s28+$0x8E20]  }
0x84: {  	v53 =	vld [tilespmem:s28+$0xE40]  }
0x85: {  	v54 =	vld [tilespmem:s28+$0x8E40]  }
0x86: {  	v55 =	vld [tilespmem:s28+$0xE50]  }
0x87: {  	[tilespmem:$0x1FCF0] =	vst v1;
	v1 =	vld [tilespmem:s28+$0x8EF0]  }
0x88: {  	v56 =	vld [tilespmem:s28+$0x8E50]  }
0x89: {  	v57 =	vld [tilespmem:s28+$0xDB0]  }
0x8a: {  	v58 =	vld [tilespmem:s28+$0x8DB0]  }
0x8b: {  	v59 =	vld [tilespmem:s28+$0xE00]  }
0x8c: {  	[tilespmem:$0x1FD00] =	vst v1;
	v1 =	vld [tilespmem:s28+$0xF40]  }
0x8d: {  	v60 =	vld [tilespmem:s28+$0x8E00]  }
0x8e: {  	v61 =	vld [tilespmem:s28+$0xE10]  }
0x8f: {  	v62 =	vld [tilespmem:s28+$0x8E10]  }
0x90: {  	v63 =	vld [tilespmem:s28+$0xD70]  }
0x91: {  	[tilespmem:$0x1FE10] =	vst v1;
	v1 =	vld [tilespmem:s28+$0x8F40]  }
0x92: {  	v19 =	vld [tilespmem:s28+$0x8D70]  }
0x93: {  	v14 =	vld [tilespmem:s28+$0xDA0]  }
0x94: {  	v11 =	vld [tilespmem:s28+$0x8DA0]  }
0x95: {  	v16 =	vld [tilespmem:s28+$0xD60]  }
0x96: {  	[tilespmem:$0x1FE20] =	vst v1;
	v1 =	vld [tilespmem:s28+$0xF50]  }
0x97: {  	v15 =	vld [tilespmem:s28+$0x8D60]  }
0x98: {  	v4 =	vld [tilespmem:s28+$0xD80]  }
0x99: {  	v3 =	vld [tilespmem:s28+$0x8D80]  }
0x9a: {  	v2 =	vld [tilespmem:s28+$0xD90]  }
0x9b: {  	[tilespmem:$0x1FE30] =	vst v1;
	v1 =	vld [tilespmem:s28+$0x8F50]  }
0x9c: {  	v18 =	vld [tilespmem:s28+$0xCF0]  }
0x9d: {  	v17 =	vld [tilespmem:s28+$0x8CF0]  }
0x9e: {  	v5 =	vld [tilespmem:s28+$0xD20]  }
0x9f: {  	v8 =	vld [tilespmem:s28+$0xD40]  }
0xa0: {  	[tilespmem:$0x1FE40] =	vst v1;
	v1 =	vld [tilespmem:s28+$0xEA0]  }
0xa1: {  	v7 =	vld [tilespmem:s28+$0x8D40]  }
0xa2: {  	v6 =	vld [tilespmem:s28+$0xD50]  }
0xa3: {  	v9 =	vld [tilespmem:s28+$0xCB0]  }
0xa4: {  	v32 =	vld [tilespmem:s28+$0x8CB0]  }
0xa5: {  	[tilespmem:$0x1FE00] =	vst v1;
	v1 =	vld [tilespmem:s28+$0xE80]  }
0xa6: {  	v10 =	vld [tilespmem:s28+$0xCE0]  }
0xa7: {  	v12 =	vld [tilespmem:s28+$0xD00]  }
0xa8: {  	v31 =	vld [tilespmem:s28+$0xC30]  }
0xa9: {  	v20 =	vld [tilespmem:s28+$0x8C30]  }
0xaa: {  	[tilespmem:$0x1FDC0] =	vst v1;
	v1 =	vld [tilespmem:s28+$0x8E80]  }
0xab: {  	v13 =	vld [tilespmem:s28+$0xCA0]  }
0xac: {  	[tilespmem:$0x1FE60] =	vst v0;
	v0 =	vld [tilespmem:s28+$0x8FC0]  }
0xad: {  	[tilespmem:$0x1FD60] =	vst v5;
	v5 =	vld [tilespmem:s28+$0x8D50]  }
0xae: {  	[tilespmem:$0x1FD10] =	vst v9;
	v9 =	vld [tilespmem:s28+$0x8CE0]  }
0xaf: {  	[tilespmem:$0x1FDD0] =	vst v1;
	v1 =	vld [tilespmem:s28+$0xE90]  }
0xb0: {  	[tilespmem:$0x1FD20] =	vst v12;
	v12 =	vld [tilespmem:s28+$0x8D00]  }
0xb1: {  	v27 =	vmul.f32 v28, v27;
	v28 =	vmul.f32 v30, v29;
	v29 =	vld [tilespmem:s28+$0xCC0]  }
0xb2: {  	v30 =	vmul.f32 v38, v37;
	v38 =	vld [tilespmem:s28+$0x8CC0]  }
0xb3: {  	v23 =	vmul.f32 v24, v23;
	v24 =	vld [tilespmem:s28+$0xCD0]  }
0xb4: {  	[tilespmem:$0x1FDE0] =	vst v1;
	v1 =	vld [tilespmem:s28+$0x8E90]  }
0xb5: {  	v25 =	vmul.f32 v26, v25;
	v26 =	vld [tilespmem:s28+$0x8C20]  }
0xb6: {  	v46 =	vmul.f32 v46, v45;
	v55 =	vmul.f32 v56, v55;
	v45 =	vld [tilespmem:s28+$0x8C90]  }
0xb7: {  	v56 =	vmul.f32 v62, v61;
	v62 =	vmul.f32 v50, v49;
	v49 =	vld [tilespmem:s28+$0x8C00]  }
0xb8: {  	v40 =	vmul.f32 v40, v39;
	v37 =	vld [tilespmem:s28+$0x8D20]  }
0xb9: {  	[tilespmem:$0x1FDF0] =	vst v1;
	v1 =	vld [tilespmem:s28+$0xDE0]  }
0xba: {  	v21 =	vmul.f32 v22, v21;
	v54 =	vmul.f32 v54, v53;
	v22 =	vadd.f32 v40, v30;
	v30 =	vld [tilespmem:s28+$0x8CD0]  }
0xbb: {  	v27 =	vadd.f32 v28, v27;
	v28 =	vmul.f32 v34, v33;
	v34 =	vld [tilespmem:s28+$0xC20]  }
0xbc: {  	v33 =	vadd.f32 v55, v54;
	v54 =	vld [tilespmem:s28+$0xC40]  }
0xbd: {  	v40 =	vld [tilespmem:s28+$0xD30]  }
0xbe: {  	[tilespmem:$0x1FDB0] =	vst v1;
	v1 =	vld [tilespmem:s28+$0xDC0]  }
0xbf: {  	v22 =	vadd.f32 v28, v22;
	v28 =	vld [tilespmem:s28+$0xC80]  }
0xc0: {  	v33 =	vadd.f32 v62, v33;
	v62 =	vld [tilespmem:s28+$0x8C70]  }
0xc1: {  	[tilespmem:$0x1FE70] =	vst v0;
	v0 =	vld [tilespmem:s28+$0xFD0]  }
0xc2: {  	[tilespmem:$0x1FD30] =	vst v12;
	v12 =	vld [tilespmem:s28+$0xD10]  }
0xc3: {  	v23 =	vadd.f32 v23, v27;
	v27 =	vmul.f32 v44, v43;
	[tilespmem:$0x1FD70] =	vst v1;
	v1 =	vld [tilespmem:s28+$0x8DC0]  }
0xc4: {  	v22 =	vadd.f32 v25, v22;
	v25 =	vld [tilespmem:s28+$0x8C80]  }
0xc5: {  	v21 =	vadd.f32 v21, v23;
	v23 =	vadd.f32 v46, v27;
	v46 =	vmul.f32 v52, v51;
	v51 =	vld [tilespmem:s28+$0xC10]  }
0xc6: {  	v52 =	vld [tilespmem:s28+$0x8C10]  }
0xc7: {  	v43 =	vld [tilespmem:$0x1FD30]  }
0xc8: {  	v27 =	vmul.f32 v36, v35;
	[tilespmem:$0x1FD80] =	vst v1;
	v1 =	vld [tilespmem:s28+$0xDD0]  }
0xc9: {  	v55 =	vmul.f32 v30, v24;
	v24 =	vmul.f32 v58, v57;
	v57 =	vld [tilespmem:s28+$0x8C50]  }
0xca: {  	v23 =	vadd.f32 v27, v23;
	v27 =	vmul.f32 v60, v59;
	v59 =	vld [tilespmem:s28+$0xC90]  }
0xcb: {  	[tilespmem:$0x1FD40] =	vst v12;
	v12 =	vld [tilespmem:s28+$0x8D10]  }
0xcc: {  	v60 =	vld [tilespmem:$0x1FCF0]  }
0xcd: {  	[tilespmem:$0x1FD90] =	vst v1;
	v1 =	vld [tilespmem:s28+$0x8DD0]  }
0xce: {  	v61 =	vld [tilespmem:$0x1FD00]  }
0xcf: {  	v7 =	vmul.f32 v7, v8;
	v27 =	vadd.f32 v56, v27;
	v56 =	vmul.f32 v15, v16;
	v15 =	vld [tilespmem:s28+$0xC50]  }
0xd0: {  	v5 =	vmul.f32 v5, v6;
	v16 =	vmul.f32 v19, v63;
	v19 =	vld [tilespmem:s28+$0xC60]  }
0xd1: {  	v44 =	vld [tilespmem:$0x1FD40]  }
0xd2: {  	v5 =	vadd.f32 v5, v7;
	[tilespmem:$0x1FDA0] =	vst v1;
	v1 =	vld [tilespmem:s28+$0x8D90]  }
0xd3: {  	[tilespmem:$0x1FD50] =	vst v12;
	v12 =	vld [tilespmem:s28+$0x8CA0];
	v39 =	vmul.f32 v61, v60  }
0xd4: {  	v5 =	vadd.f32 v56, v5;
	v36 =	vmul.f32 v57, v15;
	v15 =	vld [tilespmem:s28+$0x8D30]  }
0xd5: {  	v57 =	vld [tilespmem:s28+$0x8EB0];
	v50 =	vadd.f32 v39, v23;
	v23 =	vadd.f32 v46, v27;
	v27 =	vmul.f32 v48, v47  }
0xd6: {  	v5 =	vadd.f32 v16, v5;
	v16 =	vld [tilespmem:$0x1FD50]  }
0xd7: {  	v3 =	vmul.f32 v3, v4;
	v53 =	vadd.f32 v27, v23;
	v23 =	vld [tilespmem:s28+$0x8C40];
	v1 =	vmul.f32 v1, v2  }
0xd8: {  	v2 =	vld [tilespmem:s28+$0xC00]  }
0xd9: {  	v60 =	vmul.f32 v17, v18;
	v17 =	vld [tilespmem:s28+$0x8C60];
	v1 =	vadd.f32 v1, v3;
	v3 =	vmul.f32 v11, v14  }
0xda: {  	v41 =	vmul.f32 v42, v41;
	v61 =	vld [tilespmem:s28+$0xC70]  }
0xdb: {  	(xrf2) =	vadd.scan.msk.f32 $0xffff, v21;
	v47 =	vld [tilespmem:s28+$0xDF0];
	v1 =	vadd.f32 v3, v1;
	v3 =	vmul.f32 v38, v29  }
0xdc: {  	v9 =	vmul.f32 v9, v10;
	v33 =	vadd.f32 v41, v33;
	(xrf2) =	vadd.scan.msk.f32 $0xffff, v22;
	v48 =	vld [tilespmem:s28+$0x8DF0];
	v35 =	vmul.f32 v23, v54  }
0xdd: {  	(xrf2) =	vadd.scan.msk.f32 $0xffff, v50;
	v54 =	vld [tilespmem:s28+$0x8EA0];
	v11 =	vmul.f32 v52, v51;
	v2 =	vmul.f32 v49, v2;
	v3 =	vadd.f32 v55, v3  }
0xde: {  	(xrf2) =	vadd.scan.msk.f32 $0xffff, v33;
	v50 =	vld [tilespmem:$0x1FD70];
	v1 =	vadd.f32 v24, v1  }
0xdf: {  	v39 =	vmul.f32 v26, v34;
	(xrf2) =	vadd.scan.msk.f32 $0xffff, v53;
	v53 =	vld [tilespmem:$0x1FDA0];
	v2 =	vadd.f32 v11, v2;
	v3 =	vadd.f32 v9, v3  }
0xe0: {  	v58 =	vmul.f32 v25, v28;
	v38 =	vld [tilespmem:$0x1FD10]  }
0xe1: {  	v59 =	vmul.f32 v45, v59;
	(xrf2) =	vadd.scan.msk.f32 $0xffff, v1;
	v1 =	vadd.f32 v39, v2;
	v2 =	vld [tilespmem:$0x1FD20];
	v3 =	vadd.f32 v60, v3  }
0xe2: {  	v51 =	vld [tilespmem:$0x1FD80];
	(xrf2) =	vadd.scan.msk.f32 $0xffff, v5  }
0xe3: {  	v7 =	vadd.f32 v59, v58;
	v12 =	vmul.f32 v12, v13;
	(xrf2) =	vadd.scan.msk.f32 $0xffff, v3;
	v3 =	vld [tilespmem:$0x1FD60]  }
0xe4: {  	v41 =	vmul.f32 v20, v31;
	v52 =	vld [tilespmem:$0x1FD90]  }
0xe5: {  	v63 =	vadd.f32 v12, v7;
	v42 =	vmul.f32 v17, v19;
	v56 =	vld [tilespmem:$0x1FDB0];
	v12 =	vmul.f32 v32, v38  }
0xe6: {  	v11 =	vmul.f32 v16, v44;
	v16 =	vld [tilespmem:s28+$0x8DE0];
	v2 =	vmul.f32 v43, v2  }
0xe7: {  	v46 =	vmul.f32 v62, v61;
	v7 =	vadd.f32 v36, v35;
	v36 =	vld [tilespmem:$0x1FE10];
	v4 =	vadd.f32 v12, v63  }
0xe8: {  	v59 =	vld [tilespmem:$0x1FDD0];
	v1 =	vadd.f32 v41, v1;
	v2 =	vadd.f32 v11, v2;
	v3 =	vmul.f32 v37, v3  }
0xe9: {  	v45 =	vadd.f32 v42, v7;
	v61 =	vld [tilespmem:$0x1FDF0];
	v7 =	vmul.f32 v53, v52;
	v5 =	vmul.f32 v51, v50;
	(xrf2) =	vadd.scan.msk.f32 $0xffff, v4  }
0xea: {  	(xrf2) =	vadd.scan.msk.f32 $0xffff, v1;
	v1 =	vadd.f32 v3, v2;
	v2 =	vmul.f32 v15, v40;
	v15 =	vld [tilespmem:$0x1FE20]  }
0xeb: {  	v60 =	vld [tilespmem:$0x1FDE0];
	v5 =	vadd.f32 v7, v5;
	v7 =	vmul.f32 v16, v56  }
0xec: {  	v1 =	vadd.f32 v2, v1;
	v2 =	vld [tilespmem:$0x1FDC0]  }
0xed: {  	v6 =	vmul.f32 v48, v47;
	v34 =	vld [tilespmem:$0x1FE00];
	v5 =	vadd.f32 v7, v5  }
0xee: {  	v16 =	vld [tilespmem:$0x1FE40]  }
0xef: {  	v5 =	vadd.f32 v6, v5;
	v6 =	vmul.f32 v15, v36;
	v15 =	vld [tilespmem:$0x1FE30]  }
0xf0: {  	v3 =	vld [tilespmem:s28+$0xEB0]  }
0xf1: {  	v18 =	vld [tilespmem:$0x1FE70];
	v12 =	vmul.f32 v61, v60;
	v2 =	vmul.f32 v59, v2  }
0xf2: {  	v62 =	vld [tilespmem:s28+$0x8F60];
	v49 =	vadd.f32 v46, v45  }
0xf3: {  	v35 =	vld [tilespmem:s28+$0x8F70];
	v9 =	vmul.f32 v54, v34;
	v2 =	vadd.f32 v12, v2  }
0xf4: {  	v55, _, _ =	vpop (xrf2);
	v32 =	vld [tilespmem:s28+$0xF70];
	(xrf2) =	vadd.scan.msk.f32 $0xffff, v49;
	v15 =	vmul.f32 v16, v15  }
0xf5: {  	v58, _, _ =	vpop (xrf2);
	v37 =	vld [tilespmem:s28+$0x8FE0];
	v3 =	vmul.f32 v57, v3;
	v2 =	vadd.f32 v9, v2  }
0xf6: {  	v63, _, _ =	vpop (xrf2);
	v6 =	vadd.f32 v15, v6;
	v15 =	vld [tilespmem:$0x1FE50]  }
0xf7: {  	v33, _, _ =	vpop (xrf2);
	(xrf2) =	vadd.scan.msk.f32 $0xffff, v1;
	v2 =	vadd.f32 v3, v2;
	v3 =	vld [tilespmem:$0x1FE60]  }
0xf8: {  	v40 =	vld [tilespmem:$0x1FE80];
	v1, _, _ =	vpop (xrf2)  }
0xf9: {  	v17, _, _ =	vpop (xrf2);
	v16 =	vld [tilespmem:s28+$0xFE0]  }
0xfa: {  	(xrf2) =	vadd.scan.msk.f32 $0xffff, v5;
	v38, _, _ =	vpop (xrf2)  }
0xfb: {  	v39, _, _ =	vpop (xrf2);
	v13 =	vmul.f32 v62, v15;
	v15 =	vld [tilespmem:s28+$0xFF0]  }
0xfc: {  	v19, _, _ =	vpop (xrf2);
	v3 =	vmul.f32 v18, v3;
	v18 =	vld [tilespmem:s28+$0x8FF0]  }
0xfd: {  	v7 =	vmul.f32 v35, v32;
	v12 =	vmul.f32 v40, v0;
	v41, _, _ =	vpop (xrf2);
	(xrf2) =	vadd.scan.msk.f32 $0xffff, v2;
	v6 =	vadd.f32 v13, v6  }
0xfe: {  	v43, _, _ =	vpop (xrf2);
	v44 =	vbroadcast v41, $0xF;
	v42 =	vmul.f32 v37, v16  }
0xff: {  	v3 =	vadd.f32 v12, v3;
	v2 =	vadd.f32 v7, v6;
	v7 =	vbroadcast v43, $0xF  }
0x100: {  	v5 =	vbroadcast v39, $0xF;
	v45 =	vbroadcast v19, $0xF  }
0x101: {  	v47, _, _ =	vpop (xrf2);
	v3 =	vadd.f32 v42, v3;
	v46 =	vmul.f32 v18, v15;
	(xrf2) =	vadd.scan.msk.f32 $0xffff, v2;
	v2 =	vsel vm0, v44, v7  }
0x102: {  	v7 =	vbroadcast v47, $0xF;
	v2 =	vsel vm1, v2, v45  }
0x103: {  	v48 =	vbroadcast v38, $0xF;
	v3 =	vadd.f32 v46, v3;
	v2 =	vsel vm2, v2, v5  }
0x104: {  	v49 =	vbroadcast v17, $0xF;
	v50, _, _ =	vpop (xrf2);
	v2 =	vsel vm3, v2, v7  }
0x105: {  	(xrf2) =	vadd.scan.msk.f32 $0xffff, v3;
	v2 =	vsel vm4, v2, v48;
	v3 =	vbroadcast v50, $0xF  }
0x106: {  	v1 =	vbroadcast v1, $0xF;
	v2 =	vsel vm5, v2, v49  }
0x107: {  	v51, _, _ =	vpop (xrf2);
	v2 =	vsel vm6, v2, v3;
	v3 =	vbroadcast v33, $0xF  }
0x108: {  	v1 =	vsel vm7, v2, v1;
	v2 =	vbroadcast v51, $0xF  }
0x109: {  	v1 =	vsel vm8, v1, v3;
	v3 =	vbroadcast v63, $0xF  }
0x10a: {  	v1 =	vsel vm9, v1, v2;
	v2 =	vbroadcast v58, $0xF  }
0x10b: {  	v1 =	vsel vm10, v1, v3  }
0x10c: {  	v52, _, _ =	vpop (xrf2);
	v1 =	vsel vm11, v1, v2;
	v2 =	vbroadcast v55, $0xF  }
0x10d: {  	v3 =	vbroadcast v52, $0xF;
	_ =	sdelay $0x1  }
0x10e: {  	v1 =	vsel vm12, v1, v3  }
0x10f: {  	v1 =	vsel vm13, v1, v2;
	v2, _, _ =	vpop (xrf2)  }
0x110: {  	s28 =	simm.s32 $0x14C00;
	v1 =	vsel vm14, v1, v2  }
0x111: {  	s29 =	simm.s32 $0x400;
	[tilespmem:s28+$0x0] =	vst v1  }
0x112: {  	v0 =	vld [tilespmem:s29+$0xFC0];
	_ =	sdelay $0x4  }
0x113: {  	[tilespmem:$0x1FE90] =	vst v0;
	v0 =	vld [tilespmem:s29+$0x8FC0];
	_ =	sdelay $0x4  }
0x114: {  	[tilespmem:$0x1FEA0] =	vst v0;
	v0 =	vld [tilespmem:s29+$0xFD0];
	_ =	sdelay $0x4  }
0x115: {  	[tilespmem:$0x1FEB0] =	vst v0;
	v0 =	vld [tilespmem:s29+$0x8FD0];
	_ =	sdelay $0x4  }
0x116: {  	[tilespmem:$0x1FEC0] =	vst v0;
	v0 =	vld [tilespmem:s29+$0xFA0];
	_ =	sdelay $0x4  }
0x117: {  	[tilespmem:$0x1FF80] =	vst v0;
	v0 =	vld [tilespmem:s29+$0xF60]  }
0x118: {  	v6 =	vld [tilespmem:s29+$0xFB0]  }
0x119: {  	v9 =	vld [tilespmem:s29+$0x8FB0]  }
0x11a: {  	v32 =	vld [tilespmem:s29+$0x8FA0]  }
0x11b: {  	v11 =	vld [tilespmem:s29+$0xF30]  }
0x11c: {  	[tilespmem:$0x1FED0] =	vst v0;
	v0 =	vld [tilespmem:s29+$0xF20]  }
0x11d: {  	v12 =	vld [tilespmem:s29+$0x8F30]  }
0x11e: {  	v27 =	vld [tilespmem:s29+$0xF80]  }
0x11f: {  	v33 =	vld [tilespmem:s29+$0x8F80]  }
0x120: {  	v34 =	vld [tilespmem:s29+$0xF90]  }
0x121: {  	[tilespmem:$0x1FF90] =	vst v0;
	v0 =	vld [tilespmem:s29+$0x8F20]  }
0x122: {  	v36 =	vld [tilespmem:s29+$0x8F90]  }
0x123: {  	v14 =	vld [tilespmem:s29+$0xEF0]  }
0x124: {  	v21 =	vld [tilespmem:s29+$0x8EF0]  }
0x125: {  	v37 =	vld [tilespmem:s29+$0xEE0]  }
0x126: {  	[tilespmem:$0x1FFA0] =	vst v0;
	v0 =	vld [tilespmem:s29+$0xF40]  }
0x127: {  	v35 =	vld [tilespmem:s29+$0x8EE0]  }
0x128: {  	v44 =	vld [tilespmem:s29+$0xF00]  }
0x129: {  	v45 =	vld [tilespmem:s29+$0x8F00]  }
0x12a: {  	v46 =	vld [tilespmem:s29+$0xF10]  }
0x12b: {  	[tilespmem:$0x1FEE0] =	vst v0;
	v0 =	vld [tilespmem:s29+$0x8F40]  }
0x12c: {  	v47 =	vld [tilespmem:s29+$0x8F10]  }
0x12d: {  	v5 =	vld [tilespmem:s29+$0xE70]  }
0x12e: {  	v7 =	vld [tilespmem:s29+$0x8E70]  }
0x12f: {  	v50 =	vld [tilespmem:s29+$0xEC0]  }
0x130: {  	[tilespmem:$0x1FEF0] =	vst v0;
	v0 =	vld [tilespmem:s29+$0xF50]  }
0x131: {  	v1 =	vld [tilespmem:s29+$0x8EC0]  }
0x132: {  	v2 =	vld [tilespmem:s29+$0xED0]  }
0x133: {  	v53 =	vld [tilespmem:s29+$0x8ED0]  }
0x134: {  	v3 =	vld [tilespmem:s29+$0xE30]  }
0x135: {  	[tilespmem:$0x1FF00] =	vst v0;
	v0 =	vld [tilespmem:s29+$0x8F50]  }
0x136: {  	v4 =	vld [tilespmem:s29+$0x8E30]  }
0x137: {  	v59 =	vld [tilespmem:s29+$0xE60]  }
0x138: {  	v58 =	vld [tilespmem:s29+$0x8E60]  }
0x139: {  	v24 =	vld [tilespmem:s29+$0xE20]  }
0x13a: {  	[tilespmem:$0x1FF10] =	vst v0;
	v0 =	vld [tilespmem:s29+$0xEA0]  }
0x13b: {  	v51 =	vld [tilespmem:s29+$0x8E20]  }
0x13c: {  	v60 =	vld [tilespmem:s29+$0xE40]  }
0x13d: {  	v61 =	vld [tilespmem:s29+$0x8E40]  }
0x13e: {  	v62 =	vld [tilespmem:s29+$0xE50]  }
0x13f: {  	[tilespmem:$0x1FF20] =	vst v0;
	v0 =	vld [tilespmem:s29+$0xE80]  }
0x140: {  	v63 =	vld [tilespmem:s29+$0x8E50]  }
0x141: {  	v13 =	vld [tilespmem:s29+$0xDB0]  }
0x142: {  	v15 =	vld [tilespmem:s29+$0x8DB0]  }
0x143: {  	v55 =	vld [tilespmem:s29+$0xE00]  }
0x144: {  	[tilespmem:$0x1FF30] =	vst v0;
	v0 =	vld [tilespmem:s29+$0x8E80]  }
0x145: {  	v49 =	vld [tilespmem:s29+$0x8E00]  }
0x146: {  	v54 =	vld [tilespmem:s29+$0xE10]  }
0x147: {  	v48 =	vld [tilespmem:s29+$0x8E10]  }
0x148: {  	v8 =	vld [tilespmem:s29+$0xD70]  }
0x149: {  	[tilespmem:$0x1FF40] =	vst v0;
	v0 =	vld [tilespmem:s29+$0xE90]  }
0x14a: {  	v10 =	vld [tilespmem:s29+$0x8D70]  }
0x14b: {  	v57 =	vld [tilespmem:s29+$0xDA0]  }
0x14c: {  	v56 =	vld [tilespmem:s29+$0x8DA0]  }
0x14d: {  	v16 =	vld [tilespmem:s29+$0xDC0]  }
0x14e: {  	[tilespmem:$0x1FF50] =	vst v0;
	v0 =	vld [tilespmem:s29+$0x8E90]  }
0x14f: {  	v17 =	vld [tilespmem:s29+$0x8DC0]  }
0x150: {  	v18 =	vld [tilespmem:s29+$0xDD0]  }
0x151: {  	v19 =	vld [tilespmem:s29+$0x8DD0]  }
0x152: {  	v39 =	vld [tilespmem:s29+$0xD80]  }
0x153: {  	[tilespmem:$0x1FF60] =	vst v0;
	v0 =	vld [tilespmem:s29+$0xDE0]  }
0x154: {  	v23 =	vld [tilespmem:s29+$0x8D80]  }
0x155: {  	v38 =	vld [tilespmem:s29+$0xD90]  }
0x156: {  	v22 =	vld [tilespmem:s29+$0x8D90]  }
0x157: {  	v30 =	vld [tilespmem:s29+$0xCF0]  }
0x158: {  	[tilespmem:$0x1FF70] =	vst v0;
	v0 =	vld [tilespmem:s29+$0xD60]  }
0x159: {  	v31 =	vld [tilespmem:s29+$0x8CF0]  }
0x15a: {  	v20 =	vld [tilespmem:s29+$0xD20]  }
0x15b: {  	v43 =	vld [tilespmem:s29+$0xD40]  }
0x15c: {  	v41 =	vld [tilespmem:s29+$0x8D40]  }
0x15d: {  	[tilespmem:$0x1FFB0] =	vst v0;
	v0 =	vld [tilespmem:s29+$0x8D60]  }
0x15e: {  	v42 =	vld [tilespmem:s29+$0xD50]  }
0x15f: {  	v40 =	vld [tilespmem:s29+$0x8D50]  }
0x160: {  	v28 =	vld [tilespmem:s29+$0xCB0]  }
0x161: {  	v29 =	vld [tilespmem:s29+$0x8CB0]  }
0x162: {  	[tilespmem:$0x1FFC0] =	vst v0;
	v0 =	vld [tilespmem:s29+$0xCE0]  }
0x163: {  	v52 =	vld [tilespmem:s29+$0xD00]  }
0x164: {  	v25 =	vld [tilespmem:s29+$0x8D00]  }
0x165: {  	v26 =	vld [tilespmem:s29+$0xD10]  }
0x166: {  	v33 =	vmul.f32 v33, v27;
	v27 =	vld [tilespmem:s29+$0x8D10]  }
0x167: {  	v44 =	vmul.f32 v45, v44;
	[tilespmem:$0x1FFD0] =	vst v0;
	v0 =	vld [tilespmem:s29+$0x8CE0]  }
0x168: {  	v45 =	vmul.f32 v47, v46;
	v46 =	vmul.f32 v1, v50;
	v1 =	vld [tilespmem:$0x1FF90]  }
0x169: {  	v47 =	vmul.f32 v53, v2;
	v2 =	vld [tilespmem:$0x1FFA0]  }
0x16a: {  	v50 =	vld [tilespmem:s29+$0xCD0]  }
0x16b: {  	v22 =	vmul.f32 v22, v38;
	v38 =	vld [tilespmem:s29+$0x8C00]  }
0x16c: {  	[tilespmem:$0x1FFE0] =	vst v0;
	v0 =	vld [tilespmem:$0x1FF80]  }
0x16d: {  	v23 =	vmul.f32 v23, v39;
	v41 =	vmul.f32 v41, v43;
	v39 =	vld [tilespmem:s29+$0xC00]  }
0x16e: {  	v40 =	vmul.f32 v40, v42;
	v42 =	vld [tilespmem:s29+$0x8C10];
	v44 =	vadd.f32 v45, v44;
	v53 =	vmul.f32 v2, v1  }
0x16f: {  	v34 =	vmul.f32 v36, v34;
	v46 =	vadd.f32 v47, v46;
	v47 =	vld [tilespmem:s29+$0xCC0]  }
0x170: {  	v6 =	vmul.f32 v9, v6;
	v45 =	vld [tilespmem:s29+$0x8CC0];
	v41 =	vadd.f32 v40, v41;
	v9 =	vadd.f32 v53, v44  }
0x171: {  	v40 =	vld [tilespmem:s29+$0xC10];
	v53 =	vmul.f32 v12, v11;
	v36 =	vmul.f32 v32, v0;
	v0 =	vadd.f32 v34, v33  }
0x172: {  	v44 =	vld [tilespmem:s29+$0x8CD0]  }
0x173: {  	v35 =	vmul.f32 v35, v37;
	v37 =	vadd.f32 v53, v9;
	v9 =	vld [tilespmem:s29+$0x8C80];
	v0 =	vadd.f32 v36, v0  }
0x174: {  	v2 =	vmul.f32 v58, v59;
	v58 =	vmul.f32 v4, v3;
	v3 =	vld [tilespmem:$0x1FFB0]  }
0x175: {  	v35 =	vadd.f32 v35, v46;
	v59 =	vld [tilespmem:$0x1FFC0];
	v0 =	vadd.f32 v6, v0;
	v6 =	vmul.f32 v21, v14  }
0x176: {  	v1 =	vmul.f32 v63, v62;
	v63 =	vld [tilespmem:$0x1FFE0]  }
0x177: {  	v32 =	vld [tilespmem:s29+$0xC30];
	(xrf2) =	vadd.scan.msk.f32 $0xffff, v0;
	v0 =	vmul.f32 v61, v60;
	v46 =	vadd.f32 v6, v35  }
0x178: {  	v33 =	vld [tilespmem:s29+$0x8C30];
	(xrf2) =	vadd.scan.msk.f32 $0xffff, v37  }
0x179: {  	v34 =	vld [tilespmem:s29+$0xCA0];
	v0 =	vadd.f32 v1, v0;
	(xrf2) =	vadd.scan.msk.f32 $0xffff, v46  }
0x17a: {  	v49 =	vmul.f32 v49, v55;
	v48 =	vmul.f32 v48, v54;
	v22 =	vadd.f32 v22, v23;
	v36 =	vld [tilespmem:s29+$0x8CA0]  }
0x17b: {  	v23 =	vmul.f32 v56, v57;
	v11 =	vmul.f32 v7, v5;
	v14 =	vld [tilespmem:s29+$0xC90];
	v0 =	vadd.f32 v2, v0  }
0x17c: {  	v55 =	vmul.f32 v51, v24;
	v12 =	vadd.f32 v48, v49;
	v60 =	vmul.f32 v59, v3;
	v3 =	vld [tilespmem:$0x1FFD0]  }
0x17d: {  	v22 =	vadd.f32 v23, v22;
	v23 =	vmul.f32 v15, v13;
	v1 =	vld [tilespmem:s29+$0xC80];
	v0 =	vadd.f32 v11, v0  }
0x17e: {  	v57 =	vadd.f32 v55, v12;
	v2 =	vld [tilespmem:s29+$0x8C90]  }
0x17f: {  	v23 =	vadd.f32 v23, v22;
	v35 =	vld [tilespmem:s29+$0xC20]  }
0x180: {  	v45 =	vmul.f32 v45, v47;
	v43 =	vadd.f32 v58, v57;
	v44 =	vmul.f32 v44, v50;
	v37 =	vld [tilespmem:s29+$0x8C20];
	(xrf2) =	vadd.scan.msk.f32 $0xffff, v0  }
0x181: {  	v62 =	vmul.f32 v10, v8;
	v61 =	vadd.f32 v60, v41;
	v41 =	vld [tilespmem:s29+$0xC40];
	v0, _, _ =	vpop (xrf2)  }
0x182: {  	v46 =	vadd.f32 v44, v45;
	v44 =	vld [tilespmem:s29+$0xC50];
	v47 =	vmul.f32 v63, v3;
	(xrf2) =	vadd.scan.msk.f32 $0xffff, v43;
	v22, _, _ =	vpop (xrf2)  }
0x183: {  	s30 =	simm.s32 $0x2000;
	v45 =	vadd.f32 v62, v61;
	v48 =	vmul.f32 v9, v1;
	v49 =	vmul.f32 v2, v14;
	v43 =	vld [tilespmem:s29+$0x8C40];
	(xrf2) =	vadd.scan.msk.f32 $0xffff, v23;
	v23, _, _ =	vpop (xrf2)  }
.LBB2_4:
0x184: {  	_ =	sdelay $0x1  }
0x185: {  	v46 =	vadd.f32 v47, v46;
	v1 =	vmul.f32 v31, v30;
	_ =	sdelay $0x1  }
0x186: {  	v1 =	vadd.f32 v1, v46  }
0x187: {  	(xrf2) =	vadd.scan.msk.f32 $0xffff, v45;
	v24 =	vmul.f32 v25, v52;
	v25 =	vmul.f32 v27, v26;
	v26 =	vld [tilespmem:s29+$0x8DE0]  }
0x188: {  	v30, _, _ =	vpop (xrf2);
	(xrf2) =	vadd.scan.msk.f32 $0xffff, v1;
	v1 =	vld [tilespmem:$0x1FF70];
	_ =	sdelay $0x3  }
0x189: {  	v2 =	vld [tilespmem:$0x1FF40]  }
0x18a: {  	v15 =	vmul.f32 v26, v1;
	v1 =	vld [tilespmem:$0x1FF30];
	_ =	sdelay $0x1  }
0x18b: {  	v62 =	vld [tilespmem:s29+$0x8D20]  }
0x18c: {  	v12 =	vld [tilespmem:s29+$0xD30]  }
0x18d: {  	v14 =	vld [tilespmem:s29+$0x8D30]  }
0x18e: {  	v11 =	vmul.f32 v2, v1;
	v1 =	vld [tilespmem:$0x1FF50]  }
0x18f: {  	v2 =	vld [tilespmem:$0x1FF60];
	_ =	sdelay $0x2  }
0x190: {  	v21 =	vmul.f32 v62, v20;
	v24 =	vadd.f32 v25, v24  }
0x191: {  	v16 =	vmul.f32 v17, v16;
	v17 =	vmul.f32 v19, v18;
	v18 =	vld [tilespmem:s29+$0x8EA0]  }
0x192: {  	v21 =	vadd.f32 v21, v24;
	v24 =	vmul.f32 v14, v12;
	v12 =	vmul.f32 v2, v1;
	v1 =	vld [tilespmem:$0x1FF20];
	_ =	sdelay $0x2  }
0x193: {  	v50 =	vld [tilespmem:s29+$0x8C50]  }
0x194: {  	v2 =	vld [tilespmem:$0x1FEF0]  }
0x195: {  	v10 =	vmul.f32 v18, v1;
	v1 =	vld [tilespmem:$0x1FEE0];
	_ =	sdelay $0x1  }
0x196: {  	v57 =	vld [tilespmem:s29+$0x8C60];
	v34 =	vmul.f32 v36, v34  }
0x197: {  	v31 =	vld [tilespmem:s29+$0xC60];
	v55 =	vmul.f32 v38, v39;
	v56 =	vmul.f32 v42, v40  }
0x198: {  	v54 =	vadd.f32 v49, v48;
	v28 =	vmul.f32 v29, v28;
	v60 =	vmul.f32 v43, v41  }
0x199: {  	v61 =	vmul.f32 v50, v44;
	v6 =	vmul.f32 v2, v1;
	v1 =	vld [tilespmem:$0x1FF00]  }
0x19a: {  	v35 =	vmul.f32 v37, v35;
	v34 =	vadd.f32 v34, v54;
	v29 =	vadd.f32 v56, v55;
	v2 =	vld [tilespmem:$0x1FF10]  }
0x19b: {  	v32 =	vmul.f32 v33, v32;
	v13 =	vadd.f32 v61, v60  }
0x19c: {  	v58 =	vld [tilespmem:s29+$0xC70];
	v28 =	vadd.f32 v28, v34;
	v29 =	vadd.f32 v35, v29;
	v31 =	vmul.f32 v57, v31  }
0x19d: {  	v59 =	vld [tilespmem:s29+$0x8C70]  }
0x19e: {  	v63, _, _ =	vpop (xrf2);
	(xrf2) =	vadd.scan.msk.f32 $0xffff, v28;
	v28 =	vadd.f32 v32, v29;
	v29 =	vadd.f32 v31, v13;
	v13 =	vld [tilespmem:s29+$0x8F60]  }
0x19f: {  	v7 =	vmul.f32 v2, v1;
	v1 =	vld [tilespmem:$0x1FED0];
	_ =	sdelay $0x1  }
0x1a0: {  	v41 =	vld [tilespmem:s29+$0xDF0]  }
0x1a1: {  	v25 =	vld [tilespmem:s29+$0x8DF0]  }
0x1a2: {  	v31 =	vmul.f32 v59, v58;
	v2 =	vld [tilespmem:$0x1FEA0]  }
0x1a3: {  	v5 =	vmul.f32 v13, v1;
	v1 =	vld [tilespmem:$0x1FE90]  }
0x1a4: {  	v16 =	vadd.f32 v17, v16;
	v17 =	vld [tilespmem:s29+$0x8EB0];
	v27, _, _ =	vpop (xrf2);
	(xrf2) =	vadd.scan.msk.f32 $0xffff, v28;
	v28 =	vadd.f32 v31, v29  }
0x1a5: {  	v42 =	vld [tilespmem:s29+$0x8F70]  }
0x1a6: {  	v19, _, _ =	vpop (xrf2);
	v29 =	vld [tilespmem:s29+$0xEB0];
	(xrf2) =	vadd.scan.msk.f32 $0xffff, v28  }
0x1a7: {  	v21 =	vadd.f32 v24, v21;
	v24 =	vld [tilespmem:s29+$0xF70]  }
0x1a8: {  	v15 =	vadd.f32 v15, v16;
	v16 =	vmul.f32 v25, v41;
	v3 =	vmul.f32 v2, v1;
	v1 =	vld [tilespmem:$0x1FEB0]  }
0x1a9: {  	v14, _, _ =	vpop (xrf2);
	(xrf2) =	vadd.scan.msk.f32 $0xffff, v21;
	v11 =	vadd.f32 v12, v11;
	v2 =	vld [tilespmem:$0x1FEC0]  }
0x1aa: {  	v8 =	vld [tilespmem:s29+$0xFE0];
	v15 =	vadd.f32 v16, v15  }
0x1ab: {  	v16 =	vld [tilespmem:s29+$0x8FE0];
	v17 =	vmul.f32 v17, v29;
	v10 =	vadd.f32 v10, v11  }
0x1ac: {  	v4 =	vld [tilespmem:s29+$0x8FF0];
	v9, _, _ =	vpop (xrf2);
	(xrf2) =	vadd.scan.msk.f32 $0xffff, v15;
	v6 =	vadd.f32 v7, v6  }
0x1ad: {  	v43 =	vld [tilespmem:s29+$0xFF0];
	v10 =	vadd.f32 v17, v10  }
0x1ae: {  	v45 =	vmul.f32 v42, v24;
	v13 =	vadd.f32 v5, v6;
	v1 =	vmul.f32 v2, v1  }
0x1af: {  	v44, _, _ =	vpop (xrf2);
	(xrf2) =	vadd.scan.msk.f32 $0xffff, v10  }
0x1b0: {  	v46, _, _ =	vpop (xrf2);
	v2 =	vadd.f32 v45, v13;
	v1 =	vadd.f32 v1, v3;
	v3 =	vmul.f32 v16, v8  }
0x1b1: {  	v47 =	vbroadcast v44, $0xF;
	v48 =	vbroadcast v46, $0xF  }
0x1b2: {  	v49 =	vbroadcast v9, $0xF;
	(xrf2) =	vadd.scan.msk.f32 $0xffff, v2;
	v1 =	vadd.f32 v3, v1;
	v3 =	vmul.f32 v4, v43  }
0x1b3: {  	v50 =	vbroadcast v14, $0xF;
	v51, _, _ =	vpop (xrf2);
	v2 =	vsel vm0, v47, v48  }
0x1b4: {  	v52 =	vbroadcast v51, $0xF;
	v2 =	vsel vm1, v2, v49;
	v1 =	vadd.f32 v3, v1  }
0x1b5: {  	v2 =	vsel vm2, v2, v50;
	v3 =	vbroadcast v19, $0xF  }
0x1b6: {  	v53 =	vbroadcast v27, $0xF;
	v54, _, _ =	vpop (xrf2);
	v2 =	vsel vm3, v2, v52;
	(xrf2) =	vadd.scan.msk.f32 $0xffff, v1  }
0x1b7: {  	v1 =	vsel vm4, v2, v3;
	v2 =	vbroadcast v54, $0xF  }
0x1b8: {  	v3 =	vbroadcast v63, $0xF;
	v1 =	vsel vm5, v1, v53  }
0x1b9: {  	v55, _, _ =	vpop (xrf2);
	v1 =	vsel vm6, v1, v2;
	v2 =	vbroadcast v30, $0xF  }
0x1ba: {  	v1 =	vsel vm7, v1, v3;
	v3 =	vbroadcast v55, $0xF  }
0x1bb: {  	v1 =	vsel vm8, v1, v2;
	v2 =	vbroadcast v23, $0xF  }
0x1bc: {  	v56, _, _ =	vpop (xrf2);
	v1 =	vsel vm9, v1, v3;
	v3 =	vbroadcast v22, $0xF  }
0x1bd: {  	v4 =	vbroadcast v56, $0xF;
	v1 =	vsel vm10, v1, v2  }
0x1be: {  	v1 =	vsel vm11, v1, v3;
	v3 =	vbroadcast v0, $0xF  }
0x1bf: {  	v1 =	vsel vm12, v1, v4  }
0x1c0: {  	v1 =	vsel vm13, v1, v3;
	v2, _, _ =	vpop (xrf2)  }
0x1c1: {  	s28 =	sadd.s32 $0x10, s28;
	v1 =	vsel vm14, v1, v2  }
0x1c2: {  	s29 =	sshra.s32 s30, $0x2;
	[tilespmem:s28+$0x0] =	vst v1  }
0x1c3: {  	v0 =	vld [tilespmem:s29+$0xFB0];
	_ =	sdelay $0x4  }
0x1c4: {  	[tilespmem:$0x1FCA0] =	vst v0;
	v0 =	vld [tilespmem:s29+$0xFC0];
	_ =	sdelay $0x2  }
0x1c5: {  	v22 =	vld [tilespmem:s29+$0x8FB0]  }
0x1c6: {  	v27 =	vld [tilespmem:s29+$0xFA0]  }
0x1c7: {  	[tilespmem:$0x1FE90] =	vst v0;
	v0 =	vld [tilespmem:s29+$0x8FC0]  }
0x1c8: {  	v32 =	vld [tilespmem:s29+$0x8FA0]  }
0x1c9: {  	v35 =	vld [tilespmem:s29+$0xF30]  }
0x1ca: {  	v38 =	vld [tilespmem:s29+$0x8F30]  }
0x1cb: {  	v25 =	vld [tilespmem:s29+$0xF80]  }
0x1cc: {  	[tilespmem:$0x1FEA0] =	vst v0;
	v0 =	vld [tilespmem:s29+$0xFD0]  }
0x1cd: {  	v26 =	vld [tilespmem:s29+$0x8F80]  }
0x1ce: {  	v33 =	vld [tilespmem:s29+$0xF90]  }
0x1cf: {  	v49 =	vld [tilespmem:s29+$0x8F90]  }
0x1d0: {  	v23 =	vld [tilespmem:s29+$0x8EF0]  }
0x1d1: {  	[tilespmem:$0x1FEB0] =	vst v0;
	v0 =	vld [tilespmem:s29+$0x8FD0]  }
0x1d2: {  	v34 =	vld [tilespmem:s29+$0xF20]  }
0x1d3: {  	v36 =	vld [tilespmem:s29+$0x8F20]  }
0x1d4: {  	v44 =	vld [tilespmem:s29+$0xEE0]  }
0x1d5: {  	v47 =	vld [tilespmem:s29+$0x8EE0]  }
0x1d6: {  	[tilespmem:$0x1FEC0] =	vst v0;
	v0 =	vld [tilespmem:s29+$0xF60]  }
0x1d7: {  	v54 =	vld [tilespmem:s29+$0xF00]  }
0x1d8: {  	v55 =	vld [tilespmem:s29+$0x8F00]  }
0x1d9: {  	v56 =	vld [tilespmem:s29+$0xF10]  }
0x1da: {  	v57 =	vld [tilespmem:s29+$0x8F10]  }
0x1db: {  	[tilespmem:$0x1FED0] =	vst v0;
	v0 =	vld [tilespmem:s29+$0xEF0]  }
0x1dc: {  	v42 =	vld [tilespmem:s29+$0x8E70]  }
0x1dd: {  	v58 =	vld [tilespmem:s29+$0xEC0]  }
0x1de: {  	v59 =	vld [tilespmem:s29+$0x8EC0]  }
0x1df: {  	v60 =	vld [tilespmem:s29+$0xED0]  }
0x1e0: {  	[tilespmem:$0x1FCB0] =	vst v0;
	v0 =	vld [tilespmem:s29+$0xF40]  }
0x1e1: {  	v61 =	vld [tilespmem:s29+$0x8ED0]  }
0x1e2: {  	v37 =	vld [tilespmem:s29+$0xE60]  }
0x1e3: {  	v53 =	vld [tilespmem:s29+$0x8E60]  }
0x1e4: {  	v50 =	vld [tilespmem:s29+$0xE20]  }
0x1e5: {  	[tilespmem:$0x1FEE0] =	vst v0;
	v0 =	vld [tilespmem:s29+$0x8F40]  }
0x1e6: {  	v39 =	vld [tilespmem:s29+$0x8E20]  }
0x1e7: {  	v62 =	vld [tilespmem:s29+$0xE40]  }
0x1e8: {  	v63 =	vld [tilespmem:s29+$0x8E40]  }
0x1e9: {  	v1 =	vld [tilespmem:s29+$0x8E50]  }
0x1ea: {  	[tilespmem:$0x1FEF0] =	vst v0;
	v0 =	vld [tilespmem:s29+$0xF50]  }
0x1eb: {  	v41 =	vld [tilespmem:s29+$0xDB0]  }
0x1ec: {  	v40 =	vld [tilespmem:s29+$0x8DB0]  }
0x1ed: {  	v2 =	vld [tilespmem:s29+$0xDE0]  }
0x1ee: {  	v3 =	vld [tilespmem:s29+$0x8E00]  }
0x1ef: {  	[tilespmem:$0x1FF00] =	vst v0;
	v0 =	vld [tilespmem:s29+$0x8F50]  }
0x1f0: {  	v4 =	vld [tilespmem:s29+$0xE10]  }
0x1f1: {  	v5 =	vld [tilespmem:s29+$0x8E10]  }
0x1f2: {  	v43 =	vld [tilespmem:s29+$0xD70]  }
0x1f3: {  	v46 =	vld [tilespmem:s29+$0x8D70]  }
0x1f4: {  	[tilespmem:$0x1FF10] =	vst v0;
	v0 =	vld [tilespmem:s29+$0xE70]  }
0x1f5: {  	v6 =	vld [tilespmem:s29+$0xDA0]  }
0x1f6: {  	v7 =	vld [tilespmem:s29+$0x8DA0]  }
0x1f7: {  	v51 =	vld [tilespmem:s29+$0xDC0]  }
0x1f8: {  	v24 =	vld [tilespmem:s29+$0x8DC0]  }
0x1f9: {  	[tilespmem:$0x1FCC0] =	vst v0;
	v0 =	vld [tilespmem:s29+$0xEA0]  }
0x1fa: {  	v48 =	vld [tilespmem:s29+$0xDD0]  }
0x1fb: {  	v45 =	vld [tilespmem:s29+$0x8DD0]  }
0x1fc: {  	v8 =	vld [tilespmem:s29+$0xD60]  }
0x1fd: {  	v9 =	vld [tilespmem:s29+$0x8D60]  }
0x1fe: {  	[tilespmem:$0x1FF20] =	vst v0;
	v0 =	vld [tilespmem:s29+$0xE30]  }
0x1ff: {  	v10 =	vld [tilespmem:s29+$0xD80]  }
0x200: {  	v11 =	vld [tilespmem:s29+$0x8D80]  }
0x201: {  	v12 =	vld [tilespmem:s29+$0xD90]  }
0x202: {  	v13 =	vld [tilespmem:s29+$0x8D90]  }
0x203: {  	[tilespmem:$0x1FCD0] =	vst v0;
	v0 =	vld [tilespmem:s29+$0x8E30]  }
0x204: {  	v30 =	vld [tilespmem:s29+$0xCF0]  }
0x205: {  	v31 =	vld [tilespmem:s29+$0x8CF0]  }
0x206: {  	v20 =	vld [tilespmem:s29+$0xD20]  }
0x207: {  	v14 =	vld [tilespmem:s29+$0xD40]  }
0x208: {  	[tilespmem:$0x1FCE0] =	vst v0;
	v0 =	vld [tilespmem:s29+$0xE80]  }
0x209: {  	v15 =	vld [tilespmem:s29+$0x8D40]  }
0x20a: {  	v16 =	vld [tilespmem:s29+$0xD50]  }
0x20b: {  	v17 =	vld [tilespmem:s29+$0x8D50]  }
0x20c: {  	v28 =	vld [tilespmem:s29+$0xCB0]  }
0x20d: {  	[tilespmem:$0x1FF30] =	vst v0;
	v0 =	vld [tilespmem:s29+$0x8E80]  }
0x20e: {  	v29 =	vld [tilespmem:s29+$0x8CB0]  }
0x20f: {  	v18 =	vld [tilespmem:s29+$0xCE0]  }
0x210: {  	v19 =	vld [tilespmem:s29+$0x8CE0]  }
0x211: {  	v52 =	vld [tilespmem:s29+$0xD00]  }
0x212: {  	[tilespmem:$0x1FF40] =	vst v0;
	v0 =	vld [tilespmem:s29+$0xE90]  }
0x213: {  	[tilespmem:$0x1FF70] =	vst v2;
	v2 =	vld [tilespmem:s29+$0xE00]  }
0x214: {  	v21 =	vmul.f32 v26, v25;
	v25 =	vld [tilespmem:s29+$0x8D00]  }
0x215: {  	v26 =	vld [tilespmem:s29+$0xD10]  }
0x216: {  	v61 =	vmul.f32 v61, v60;
	v60 =	vmul.f32 v63, v62;
	v62 =	vld [tilespmem:s29+$0x8CD0]  }
0x217: {  	v33 =	vmul.f32 v49, v33;
	[tilespmem:$0x1FF50] =	vst v0;
	v0 =	vld [tilespmem:s29+$0x8E90]  }
0x218: {  	v49 =	vmul.f32 v55, v54;
	v54 =	vmul.f32 v57, v56;
	v57 =	vld [tilespmem:$0x1FCA0]  }
0x219: {  	v63 =	vmul.f32 v53, v37;
	v37 =	vld [tilespmem:s29+$0x8C20]  }
0x21a: {  	v21 =	vadd.f32 v33, v21;
	v33 =	vmul.f32 v32, v27;
	v27 =	vld [tilespmem:s29+$0x8D10]  }
0x21b: {  	v32 =	vld [tilespmem:s29+$0xC30]  }
0x21c: {  	v55 =	vmul.f32 v59, v58;
	v49 =	vadd.f32 v54, v49;
	[tilespmem:$0x1FF60] =	vst v0;
	v0 =	vld [tilespmem:s29+$0xE50]  }
0x21d: {  	v54 =	vmul.f32 v36, v34;
	v34 =	vld [tilespmem:s29+$0xCA0];
	v21 =	vadd.f32 v33, v21;
	v22 =	vmul.f32 v22, v57  }
0x21e: {  	v36 =	vld [tilespmem:s29+$0x8CA0];
	v59 =	vadd.f32 v61, v55  }
0x21f: {  	v35 =	vmul.f32 v38, v35;
	v21 =	vadd.f32 v22, v21;
	v22 =	vadd.f32 v54, v49;
	v61 =	vld [tilespmem:$0x1FCB0]  }
0x220: {  	v44 =	vmul.f32 v47, v44;
	v55 =	vld [tilespmem:s29+$0xC90]  }
0x221: {  	v33 =	vld [tilespmem:s29+$0x8C30];
	v0 =	vmul.f32 v1, v0;
	v1 =	vadd.f32 v35, v22  }
0x222: {  	v38 =	vadd.f32 v44, v59;
	v44 =	vld [tilespmem:s29+$0xC50];
	(xrf2) =	vadd.scan.msk.f32 $0xffff, v21  }
0x223: {  	v57 =	vld [tilespmem:s29+$0x8C90];
	(xrf2) =	vadd.scan.msk.f32 $0xffff, v1;
	v1 =	vmul.f32 v3, v2;
	v2 =	vmul.f32 v5, v4  }
0x224: {  	v49 =	vld [tilespmem:s29+$0xCC0];
	v23 =	vmul.f32 v23, v61  }
0x225: {  	v47 =	vld [tilespmem:$0x1FCC0];
	v1 =	vadd.f32 v2, v1;
	v2 =	vmul.f32 v39, v50  }
0x226: {  	v56 =	vld [tilespmem:$0x1FCE0];
	v3 =	vadd.f32 v23, v38  }
0x227: {  	v1 =	vadd.f32 v2, v1;
	v2 =	vld [tilespmem:$0x1FCD0]  }
0x228: {  	v21 =	vld [tilespmem:s29+$0x8CC0];
	(xrf2) =	vadd.scan.msk.f32 $0xffff, v3  }
0x229: {  	v10 =	vmul.f32 v11, v10;
	v22 =	vld [tilespmem:s29+$0xCD0];
	v0 =	vadd.f32 v0, v60  }
0x22a: {  	v53 =	vmul.f32 v13, v12;
	v58 =	vmul.f32 v15, v14;
	v35 =	vld [tilespmem:s29+$0xC20]  }
0x22b: {  	v59 =	vmul.f32 v17, v16;
	v4 =	vmul.f32 v42, v47;
	v5 =	vld [tilespmem:s29+$0xC80];
	v0 =	vadd.f32 v63, v0  }
0x22c: {  	v6 =	vmul.f32 v7, v6;
	v10 =	vadd.f32 v53, v10;
	v38 =	vld [tilespmem:s29+$0x8C00];
	v2 =	vmul.f32 v56, v2  }
0x22d: {  	p0 =	sne.s32 s30, $0x1F000;
	v8 =	vmul.f32 v9, v8;
	v17 =	vmovc v24;
	v7 =	vadd.f32 v59, v58;
	v3 =	vld [tilespmem:s29+$0x8C80];
	v54 =	vadd.f32 v4, v0  }
.Ltmp1:
0x22e: {  	v16 =	vmovc v51;
	v60 =	vmul.f32 v40, v41;
	v40 =	vld [tilespmem:s29+$0xC10];
	v1 =	vadd.f32 v2, v1;
	v2 =	vadd.f32 v6, v10;
	(pc) =	sbr.rel @p0 .LBB2_4-.Ltmp1, $4  }
0x22f: {  	v42 =	vld [tilespmem:s29+$0x8C10];
	v63 =	vmul.f32 v46, v43;
	v61 =	vmul.f32 v62, v22;
	v62 =	vadd.f32 v8, v7;
	(xrf2) =	vadd.scan.msk.f32 $0xffff, v54  }
0x230: {  	v41 =	vld [tilespmem:s29+$0xC40];
	v47 =	vmul.f32 v19, v18;
	v0, _, _ =	vpop (xrf2);
	(xrf2) =	vadd.scan.msk.f32 $0xffff, v1;
	v1 =	vmul.f32 v21, v49;
	v2 =	vadd.f32 v60, v2  }
0x231: {  	v19 =	vmov v45;
	v18 =	vmov v48;
	v39 =	vld [tilespmem:s29+$0xC00];
	v45 =	vadd.f32 v63, v62;
	v22, _, _ =	vpop (xrf2)  }
0x232: {  	s30 =	sadd.s32 $0x1000, s30;
	v43 =	vld [tilespmem:s29+$0x8C40];
	v48 =	vmul.f32 v3, v5;
	v23, _, _ =	vpop (xrf2);
	v49 =	vmul.f32 v57, v55;
	v46 =	vadd.f32 v61, v1;
	(xrf2) =	vadd.scan.msk.f32 $0xffff, v2  }
0x233: {  	v1 =	vld [tilespmem:s29+$0x8C50]  }
0x234: {  	v2 =	vld [tilespmem:s29+$0xC60]  }
0x235: {  	v4 =	vmul.f32 v31, v30;
	v5 =	vld [tilespmem:s29+$0x8C60];
	v3 =	vadd.f32 v47, v46  }
0x236: {  	v7 =	vmul.f32 v36, v34;
	v8 =	vld [tilespmem:s29+$0xC70];
	v6 =	vadd.f32 v49, v48  }
0x237: {  	v11 =	vld [tilespmem:s29+$0x8D20];
	v10 =	vmul.f32 v42, v40;
	v9 =	vmul.f32 v38, v39;
	v3 =	vadd.f32 v4, v3  }
0x238: {  	v4 =	vld [tilespmem:s29+$0x8C70];
	v6 =	vadd.f32 v7, v6;
	v7 =	vmul.f32 v43, v41;
	v1 =	vmul.f32 v1, v44  }
0x239: {  	v12 =	vmul.f32 v29, v28;
	v13 =	vld [tilespmem:s29+$0xD30];
	v38 =	vmul.f32 v37, v35;
	v9 =	vadd.f32 v10, v9  }
0x23a: {  	v14 =	vmul.f32 v33, v32;
	v2 =	vmul.f32 v5, v2;
	v5 =	vld [tilespmem:s29+$0x8D30];
	v1 =	vadd.f32 v1, v7  }
0x23b: {  	v40 =	vmul.f32 v27, v26;
	v39 =	vmul.f32 v25, v52;
	v7 =	vadd.f32 v38, v9  }
0x23c: {  	(xrf2) =	vadd.scan.msk.f32 $0xffff, v45;
	v6 =	vadd.f32 v12, v6;
	v41 =	vmul.f32 v11, v20;
	v1 =	vadd.f32 v2, v1  }
0x23d: {  	(xrf2) =	vadd.scan.msk.f32 $0xffff, v3;
	v2 =	vmul.f32 v4, v8;
	v3 =	vadd.f32 v14, v7;
	v7 =	vadd.f32 v40, v39  }
0x23e: {  	(xrf2) =	vadd.scan.msk.f32 $0xffff, v6  }
0x23f: {  	v15 =	vld [tilespmem:s29+$0x8DE0];
	v5 =	vmul.f32 v5, v13;
	v1 =	vadd.f32 v2, v1;
	(xrf2) =	vadd.scan.msk.f32 $0xffff, v3;
	v3 =	vadd.f32 v41, v7  }
0x240: {  	v45 =	vld [tilespmem:$0x1FF60]  }
0x241: {  	(xrf2) =	vadd.scan.msk.f32 $0xffff, v1;
	v1 =	vadd.f32 v5, v3;
	v3 =	vld [tilespmem:$0x1FF30]  }
0x242: {  	v5 =	vld [tilespmem:$0x1FF40]  }
0x243: {  	v50 =	vld [tilespmem:$0x1FF00]  }
0x244: {  	v51 =	vld [tilespmem:$0x1FF10];
	v6 =	vmul.f32 v19, v18;
	v2 =	vmul.f32 v17, v16  }
0x245: {  	v55 =	vld [tilespmem:$0x1FED0]  }
0x246: {  	v2 =	vadd.f32 v6, v2;
	v6 =	vld [tilespmem:$0x1FF70]  }
0x247: {  	v3 =	vmul.f32 v5, v3;
	v5 =	vld [tilespmem:$0x1FF50]  }
0x248: {  	v42 =	vld [tilespmem:s29+$0x8DF0]  }
0x249: {  	v4 =	vld [tilespmem:s29+$0xDF0]  }
0x24a: {  	v46 =	vld [tilespmem:s29+$0x8F60]  }
0x24b: {  	v49 =	vld [tilespmem:$0x1FEF0]  }
0x24c: {  	v43 =	vld [tilespmem:s29+$0x8EA0];
	v6 =	vmul.f32 v15, v6;
	v5 =	vmul.f32 v45, v5  }
0x24d: {  	v44 =	vld [tilespmem:s29+$0x8EB0]  }
0x24e: {  	v4 =	vmul.f32 v42, v4;
	v2 =	vadd.f32 v6, v2;
	v3 =	vadd.f32 v5, v3;
	v5 =	vld [tilespmem:$0x1FF20]  }
0x24f: {  	v7 =	vld [tilespmem:s29+$0xEB0]  }
0x250: {  	v2 =	vadd.f32 v4, v2;
	v4 =	vld [tilespmem:$0x1FEE0]  }
0x251: {  	v48 =	vld [tilespmem:s29+$0x8F70]  }
0x252: {  	v6 =	vld [tilespmem:s29+$0xF70]  }
0x253: {  	v5 =	vmul.f32 v43, v5  }
0x254: {  	v57 =	vld [tilespmem:$0x1FEA0];
	v12 =	vmul.f32 v51, v50;
	v47, _, _ =	vpop (xrf2)  }
0x255: {  	v60 =	vld [tilespmem:$0x1FEB0];
	(xrf2) =	vadd.scan.msk.f32 $0xffff, v1;
	v1, _, _ =	vpop (xrf2);
	v4 =	vmul.f32 v49, v4;
	v3 =	vadd.f32 v5, v3;
	v5 =	vmul.f32 v44, v7  }
0x256: {  	v61 =	vld [tilespmem:$0x1FEC0];
	v11 =	vmul.f32 v46, v55;
	v53, _, _ =	vpop (xrf2)  }
0x257: {  	v54, _, _ =	vpop (xrf2);
	v6 =	vmul.f32 v48, v6;
	v4 =	vadd.f32 v12, v4;
	v3 =	vadd.f32 v5, v3;
	v5 =	vld [tilespmem:$0x1FE90]  }
0x258: {  	v52 =	vld [tilespmem:s29+$0xFE0];
	(xrf2) =	vadd.scan.msk.f32 $0xffff, v2;
	v2, _, _ =	vpop (xrf2)  }
0x259: {  	v59, _, _ =	vpop (xrf2);
	v4 =	vadd.f32 v11, v4;
	v7 =	vld [tilespmem:s29+$0x8FE0]  }
0x25a: {  	v62, _, _ =	vpop (xrf2)  }
0x25b: {  	v10 =	vmul.f32 v61, v60;
	(xrf2) =	vadd.scan.msk.f32 $0xffff, v3;
	v3 =	vadd.f32 v6, v4;
	v6, _, _ =	vpop (xrf2)  }
0x25c: {  	v56 =	vld [tilespmem:s29+$0xFF0];
	v6 =	vbroadcast v6, $0xF;
	v5 =	vmul.f32 v57, v5  }
0x25d: {  	v58 =	vld [tilespmem:s29+$0x8FF0]  }
0x25e: {  	v4 =	vadd.f32 v10, v5;
	v5 =	vmul.f32 v7, v52;
	v7 =	vbroadcast v62, $0xF;
	_ =	sdelay $0x1  }
0x25f: {  	(xrf2) =	vadd.scan.msk.f32 $0xffff, v3;
	v3 =	vsel vm0, v7, v6;
	v6, _, _ =	vpop (xrf2)  }
0x260: {  	v63 =	vbroadcast v59, $0xF;
	v6 =	vbroadcast v6, $0xF  }
0x261: {  	v2 =	vbroadcast v2, $0xF;
	v4 =	vadd.f32 v5, v4;
	v5 =	vmul.f32 v58, v56  }
0x262: {  	v3 =	vsel vm1, v3, v63  }
0x263: {  	v4 =	vadd.f32 v5, v4;
	v2 =	vsel vm2, v3, v2;
	v3 =	vbroadcast v54, $0xF  }
0x264: {  	v5 =	vbroadcast v53, $0xF;
	v2 =	vsel vm3, v2, v6;
	v6, _, _ =	vpop (xrf2)  }
0x265: {  	v2 =	vsel vm4, v2, v3;
	v3 =	vbroadcast v6, $0xF  }
0x266: {  	v1 =	vbroadcast v1, $0xF;
	(xrf2) =	vadd.scan.msk.f32 $0xffff, v4;
	v2 =	vsel vm5, v2, v5  }
0x267: {  	v4, _, _ =	vpop (xrf2);
	v2 =	vsel vm6, v2, v3;
	v3 =	vbroadcast v47, $0xF  }
0x268: {  	v1 =	vsel vm7, v2, v1;
	v2 =	vbroadcast v4, $0xF  }
0x269: {  	v1 =	vsel vm8, v1, v3;
	v3 =	vbroadcast v23, $0xF  }
0x26a: {  	v4, _, _ =	vpop (xrf2);
	v1 =	vsel vm9, v1, v2;
	v2 =	vbroadcast v22, $0xF  }
0x26b: {  	v1 =	vsel vm10, v1, v3;
	v3 =	vbroadcast v4, $0xF  }
0x26c: {  	v1 =	vsel vm11, v1, v2  }
0x26d: {  	v1 =	vsel vm12, v1, v3  }
0x26e: {  	v0 =	vbroadcast v0, $0xF;
	_ =	sdelay $0x1  }
0x26f: {  	v0 =	vsel vm13, v1, v0;
	v1, _, _ =	vpop (xrf2)  }
0x270: {  	s0 =	sadd.s32 $0x10, s28;
	v0 =	vsel vm14, v0, v1  }
0x271: {  	[tilespmem:s0+$0x0] =	vst v0  }
0x272: {  	_ =	swait.ge [sflag:s23], $0x2000  }
0x273: {  	[sflag:s23] =	ssyncset.done $0x0  }
0x274: {  	[sflag:s23] =	ssyncadd.s32 $0xFFFFE000  }
0x275: {  	_ =	swait.ge [sflag:s24], $0x2000  }
0x276: {  	[sflag:s24] =	ssyncset.done $0x0  }
0x277: {  	s28 =	simm.s32 $0x0;
	s3 =	simm.s32 $0xA20;
	v5 =	vld [tilespmem:$0x1FFF0];
	[sflag:s24] =	ssyncadd.s32 $0xFFFFE000  }
0x278: {  	s14 =	simm.s32 $0x14C20;
	s29 =	simm.s32 $0x820;
	s0 =	simm.s32 $0xFFFFFFFC;
	v1 =	vld [tilespmem:$0x14E00]  }
.LBB2_6:
0x279: {  	v0 =	vld [tilespmem:s29+$0xFFFFFFE0];
	_ =	sdelay $0x1  }
0x27a: {  	v3 =	vld [tilespmem:s3+$0xFFFFFFE0]  }
0x27b: {  	v2 =	vmov s28  }
0x27c: {  	v2 =	vshll.u32 v2, $0x4  }
0x27d: {  	v2 =	vor.u32 v5, v2;
	v4 =	vand.u32 $0xFFFFFFF8, v0  }
0x27e: {  	v0 =	vand.u32 $0x7, v0;
	v4 =	vadd.s32 v2, v4  }
0x27f: {  	v0 =	vor.u32 v0, v4;
	v4 =	vand.u32 $0xFFFFFFF8, v3  }
0x280: {  	v3 =	vand.u32 $0x7, v3;
	v2 =	vadd.s32 v2, v4  }
0x281: {  	v2 =	vor.u32 v3, v2;
	_ =	sdelay $0x1  }
0x282: {  	v3 =	vld [tilespmem:s14+$0xFFFFFFE0]  }
0x283: {  	v0 =	vld.idx.msk [tilespmem:v0+s17+$0x0], $0xffff;
	_ =	sdelay $0x1  }
0x284: {  	v2 =	vld.idx.msk [tilespmem:v2+s19+$0x0], $0xffff;
	_ =	sdelay $0x2  }
0x285: {  	v0 =	vadd.f32 v3, v0;
	_ =	sdelay $0x1  }
0x286: {  	v0 =	vadd.f32 v0, v2;
	_ =	sdelay $0x1  }
0x287: {  	v0 =	vadd.f32 v0, v1;
	_ =	sdelay $0x1  }
0x288: {  	[tilespmem:s14+$0xFFFFFFE0] =	vst v0  }
0x289: {  	v0 =	vld [tilespmem:s29+$0xFFFFFFF0];
	_ =	sdelay $0x1  }
0x28a: {  	s15 =	sadd.s32 $0x10, s28;
	v3 =	vld [tilespmem:s3+$0xFFFFFFF0]  }
0x28b: {  	v2 =	vmov s15  }
0x28c: {  	v2 =	vshll.u32 v2, $0x4  }
0x28d: {  	v2 =	vor.u32 v5, v2;
	v4 =	vand.u32 $0xFFFFFFF8, v0  }
0x28e: {  	v0 =	vand.u32 $0x7, v0;
	v4 =	vadd.s32 v2, v4  }
0x28f: {  	v0 =	vor.u32 v0, v4;
	v4 =	vand.u32 $0xFFFFFFF8, v3  }
0x290: {  	v3 =	vand.u32 $0x7, v3;
	v2 =	vadd.s32 v2, v4  }
0x291: {  	v2 =	vor.u32 v3, v2;
	_ =	sdelay $0x1  }
0x292: {  	v3 =	vld [tilespmem:s14+$0xFFFFFFF0]  }
0x293: {  	v0 =	vld.idx.msk [tilespmem:v0+s17+$0x0], $0xffff;
	_ =	sdelay $0x1  }
0x294: {  	v2 =	vld.idx.msk [tilespmem:v2+s19+$0x0], $0xffff;
	_ =	sdelay $0x2  }
0x295: {  	v0 =	vadd.f32 v3, v0;
	_ =	sdelay $0x1  }
0x296: {  	v0 =	vadd.f32 v0, v2;
	_ =	sdelay $0x1  }
0x297: {  	v0 =	vadd.f32 v0, v1;
	_ =	sdelay $0x1  }
0x298: {  	[tilespmem:s14+$0xFFFFFFF0] =	vst v0  }
0x299: {  	v0 =	vld [tilespmem:s29+$0x0];
	_ =	sdelay $0x1  }
0x29a: {  	s30 =	sadd.s32 $0x20, s28;
	v3 =	vld [tilespmem:s3+$0x0]  }
0x29b: {  	v2 =	vmov s30  }
0x29c: {  	v2 =	vshll.u32 v2, $0x4  }
0x29d: {  	v2 =	vor.u32 v5, v2;
	v4 =	vand.u32 $0xFFFFFFF8, v0  }
0x29e: {  	v0 =	vand.u32 $0x7, v0;
	v4 =	vadd.s32 v2, v4  }
0x29f: {  	v0 =	vor.u32 v0, v4;
	v4 =	vand.u32 $0xFFFFFFF8, v3  }
0x2a0: {  	v3 =	vand.u32 $0x7, v3;
	v2 =	vadd.s32 v2, v4  }
0x2a1: {  	v2 =	vor.u32 v3, v2;
	_ =	sdelay $0x1  }
0x2a2: {  	v3 =	vld [tilespmem:s14+$0x0]  }
0x2a3: {  	v0 =	vld.idx.msk [tilespmem:v0+s17+$0x0], $0xffff;
	_ =	sdelay $0x1  }
0x2a4: {  	v2 =	vld.idx.msk [tilespmem:v2+s19+$0x0], $0xffff;
	_ =	sdelay $0x2  }
0x2a5: {  	v0 =	vadd.f32 v3, v0;
	_ =	sdelay $0x1  }
0x2a6: {  	v0 =	vadd.f32 v0, v2;
	_ =	sdelay $0x1  }
0x2a7: {  	v0 =	vadd.f32 v0, v1;
	_ =	sdelay $0x1  }
0x2a8: {  	[tilespmem:s14+$0x0] =	vst v0  }
0x2a9: {  	v0 =	vld [tilespmem:s29+$0x10];
	_ =	sdelay $0x1  }
0x2aa: {  	s31 =	sadd.s32 $0x30, s28;
	v3 =	vld [tilespmem:s3+$0x10]  }
0x2ab: {  	v2 =	vmov s31  }
0x2ac: {  	v2 =	vshll.u32 v2, $0x4  }
0x2ad: {  	v2 =	vor.u32 v5, v2;
	v4 =	vand.u32 $0xFFFFFFF8, v0  }
0x2ae: {  	v0 =	vand.u32 $0x7, v0;
	v4 =	vadd.s32 v2, v4  }
0x2af: {  	v0 =	vor.u32 v0, v4;
	v4 =	vand.u32 $0xFFFFFFF8, v3  }
0x2b0: {  	v3 =	vand.u32 $0x7, v3;
	v2 =	vadd.s32 v2, v4  }
0x2b1: {  	v2 =	vor.u32 v3, v2;
	_ =	sdelay $0x1  }
0x2b2: {  	v3 =	vld [tilespmem:s14+$0x10]  }
0x2b3: {  	v0 =	vld.idx.msk [tilespmem:v0+s17+$0x0], $0xffff;
	_ =	sdelay $0x1  }
0x2b4: {  	v2 =	vld.idx.msk [tilespmem:v2+s19+$0x0], $0xffff;
	_ =	sdelay $0x2  }
0x2b5: {  	s0 =	sadd.s32 $0x4, s0;
	v0 =	vadd.f32 v3, v0  }
0x2b6: {  	p0 =	slt.u32 s0, $0x1C  }
.Ltmp2:
0x2b7: {  	v0 =	vadd.f32 v0, v2;
	(pc) =	sbr.rel @p0 .LBB2_6-.Ltmp2, $4  }
0x2b8: {  	_ = 	snop  }
0x2b9: {  	v0 =	vadd.f32 v0, v1  }
0x2ba: {  	s28 =	sadd.s32 $0x40, s28  }
0x2bb: {  	s29 =	sadd.s32 $0x40, s29;
	s3 =	sadd.s32 $0x40, s3;
	[tilespmem:s14+$0x10] =	vst v0;
	s14 =	sadd.s32 $0x40, s14  }
0x2bc: {  	s26 =	sadd.s32 $0x1, s26  }
0x2bd: {  	p0 =	sne.s32 s26, s11  }
.Ltmp3:
0x2be: {  	_ = 	snop;
	(pc) =	sbr.rel @p0 .LBB2_1-.Ltmp3, $4  }
0x2bf: {  	[hbm4b:s10+s2] =	stream.linear.scatter [tilespmem:s25], [sflag:$0x5], $0x200, $0x38;
	[tilespmem:$0x14E10] =	vst v63  }
0x2c0: {  	_ =	swait.ge [sflag:s12], $0x200  }
0x2c1: {  	[sflag:s12] =	ssyncset.done $0x0  }
0x2c2: {  	[sflag:s12] =	ssyncadd.s32 $0xFFFFFE00  }
0x2c3: {  	_ =	sfence.sel $0x180000  }
0x2c4: {  	[bflag:$0x0] =	sbarrier.arrive $0xFFFF  }
0x2c5: {  	_ =	strace $0x90000047  }
0x2c6: {  	s0 =	stileid.u32;
	[bflag:$0x2] =	sbarrier.arrive $0xFFFF  }
0x2c7: {  	p0 =	sne.s32 s0, $0x0;
	s0 =	rddreg [dreg:$0x4]  }
0x2c8: {  	s0 =	sadd.s32 @!p0 $0x100000, s0  }
0x2c9: {  	[sflag:s0] =	ssyncadd.tile.s32 @!p0 $0x1;
	_ =	shalt  }
.Lfunc_end2:
_tile_overlayer_lowered:
.L_overlay_start_2:
0x2ca: {  	(tag) =	ssettag $0x2  }
0x2cb: {  	s0 =	rddreg [dreg:$0x0];
	s2 =	stileid.u32  }
0x2cc: {  	s1 =	rddreg [dreg:$0x1];
	p0 =	sne.s32 s2, $0x0  }
0x2cd: {  	s3 =	rddreg [dreg:$0x2];
	[bflag:$0x3] =	sbarrier.arrive $0xFFFF;
	s2 =	simm.s32 @!p0 $0x1C05  }
0x2ce: {  	[timem:s3], [sflag:s2] =	dma.local @!p0 [hbm:s0], s1  }
0x2cf: {  	s0 =	simm.s32 @!p0 $0x5  }
0x2d0: {  	_ =	swait.ge @!p0 [sflag:s0], s1  }
0x2d1: {  	s1 =	ssub.s32 @!p0 $0x0, s1;
	[sflag:s0] =	ssyncset.done @!p0 $0x0  }
0x2d2: {  	[sflag:s0] =	ssyncadd.s32 @!p0 s1  }
0x2d3: {  	[bflag:$0x3] =	sbarrier.arrive $0xFFFF  }
0x2d4: {  	_ =	shalt  }

</sc_bundles>
